<compile_context>
chip_gen: v7x
topology: tpu7x:2x2x1
jax: 0.10.2.dev20260603
libtpu: 0.0.44.dev20260713+nightly
codegen_flags: <defaults>
</compile_context>

<pallas_src>
import functools

import jax
import jax.numpy as jnp
from jax import lax
from jax.experimental import pallas as pl
from jax.experimental.pallas import tpu as pltpu
from jax.experimental.pallas import tpu_sc as plsc

B = 2
G = 10000
M = 2500
E = 320000
D = 128

NC = 2
NS = 16
NW = NC * NS
EPW = E // NW
CH = 100
NCHUNK = EPW // CH
CW = 16
MPAD = 2560
RPS = MPAD // NS


def _sc_scatter(grid, src3, dst3):
  mesh = plsc.VectorSubcoreMesh(core_axis_name="c", subcore_axis_name="s")

  @functools.partial(
      pl.kernel,
      mesh=mesh,
      out_type=(
          jax.ShapeDtypeStruct((NC, B, MPAD, D), jnp.float32),
          jax.ShapeDtypeStruct((NC, NS, MPAD), jnp.float32),
      ),
      compiler_params=pltpu.CompilerParams(
          use_tc_tiling_on_sc=False, needs_layout_passes=False),
      scratch_types=[
          pltpu.VMEM((NCHUNK, CH), jnp.int32),
          pltpu.VMEM((NCHUNK, CH), jnp.int32),
          pltpu.VMEM((CH, D), jnp.float32),
          pltpu.VMEM((CH, D), jnp.float32),
          pltpu.VMEM((CH, D), jnp.float32),
          pltpu.VMEM((CH, D), jnp.float32),
          pltpu.VMEM((MPAD,), jnp.float32),
          pltpu.VMEM_SHARED((MPAD, D), jnp.float32),
          pltpu.VMEM_SHARED((MPAD, D), jnp.float32),
          pltpu.SemaphoreType.DMA,
          pltpu.SemaphoreType.DMA,
      ],
  )
  def k(grid_hbm, src_hbm, dst_hbm, feat_hbm, cnt_hbm,
        src_v, dst_v, a0, a1, b0, b1, cnt_v,
        accA, accB, gsem0, gsem1):
    grid0_hbm = grid_hbm.at[0]
    grid1_hbm = grid_hbm.at[1]
    c = lax.axis_index("c")
    s = lax.axis_index("s")
    w = c * NS + s

    pltpu.sync_copy(src_hbm.at[w], src_v)
    pltpu.sync_copy(dst_hbm.at[w], dst_v)

    def zrow(r, carry):
      def zcol(kk, inner):
        a0[r, pl.ds(kk * 16, 16)] = jnp.zeros((16,), jnp.float32)
        return inner
      return lax.fori_loop(0, D // 16, zcol, carry)
    lax.fori_loop(0, CH, zrow, 0)

    lanes = lax.iota(jnp.int32, 16)
    onesf = jnp.ones((16,), jnp.float32)
    def zcnt(t, carry):
      cnt_v[pl.ds(t * 16, 16)] = jnp.zeros((16,), jnp.float32)
      return carry
    lax.fori_loop(0, MPAD // 16, zcnt, 0)

    rem = RPS - CH
    base = s * RPS
    pltpu.sync_copy(a0, accA.at[pl.ds(base, CH)])
    pltpu.sync_copy(a0.at[pl.ds(0, rem)], accA.at[pl.ds(base + CH, rem)])
    pltpu.sync_copy(a0, accB.at[pl.ds(base, CH)])
    pltpu.sync_copy(a0.at[pl.ds(0, rem)], accB.at[pl.ds(base + CH, rem)])

    plsc.subcore_barrier()

    def gather_start(j, bufa, bufb, sem):
      pltpu.async_copy(grid0_hbm.at[src_v.at[j]], bufa, sem)
      pltpu.async_copy(grid1_hbm.at[src_v.at[j]], bufb, sem)

    def gather_wait(j, bufa, bufb, sem):
      pltpu.make_async_copy(grid0_hbm.at[src_v.at[j]], bufa, sem).wait()
      pltpu.make_async_copy(grid1_hbm.at[src_v.at[j]], bufb, sem).wait()

    def scatter_add(j, bufa, bufb):
      idx = dst_v.at[j]
      pltpu.sync_copy(bufa, accA.at[idx], add=True)
      pltpu.sync_copy(bufb, accB.at[idx], add=True)

    tmask = lanes < (CH - (CH // 16) * 16)

    def count_add(j):
      for kk in range(CH // 16):
        idx = dst_v[j, pl.ds(kk * 16, 16)]
        plsc.addupdate_scatter(cnt_v, [idx], onesf)
      jfull = jnp.full((16,), j, jnp.int32)
      idxt = plsc.load_gather(dst_v, [jfull, (CH // 16) * 16 + lanes], mask=tmask)
      plsc.addupdate_scatter(cnt_v, [idxt], onesf, mask=tmask)

    gather_start(0, a0, b0, gsem0)

    def body(i, carry):
      j = i * 2
      gather_start(j + 1, a1, b1, gsem1)
      gather_wait(j, a0, b0, gsem0)
      scatter_add(j, a0, b0)
      count_add(j)
      gather_start(j + 2, a0, b0, gsem0)
      gather_wait(j + 1, a1, b1, gsem1)
      scatter_add(j + 1, a1, b1)
      count_add(j + 1)
      return carry
    lax.fori_loop(0, NCHUNK // 2 - 1, body, 0)

    j = NCHUNK - 2
    gather_start(j + 1, a1, b1, gsem1)
    gather_wait(j, a0, b0, gsem0)
    scatter_add(j, a0, b0)
    count_add(j)
    gather_wait(j + 1, a1, b1, gsem1)
    scatter_add(j + 1, a1, b1)
    count_add(j + 1)

    def cflush(t, carry):
      v = cnt_v[pl.ds(t * 16, 16)]
      cnt_v[pl.ds(t * 16, 16)] = jnp.maximum(v, 0.0)
      return carry
    lax.fori_loop(0, MPAD // 16, cflush, 0)

    plsc.subcore_barrier()
    plsc.subcore_barrier()

    pltpu.sync_copy(cnt_v, cnt_hbm.at[c, s])
    pltpu.sync_copy(accA.at[pl.ds(base, CH)], a0)
    pltpu.sync_copy(a0, feat_hbm.at[c, 0, pl.ds(base, CH)])
    pltpu.sync_copy(accA.at[pl.ds(base + CH, rem)], a1.at[pl.ds(0, rem)])
    pltpu.sync_copy(a1.at[pl.ds(0, rem)], feat_hbm.at[c, 0, pl.ds(base + CH, rem)])
    pltpu.sync_copy(accB.at[pl.ds(base, CH)], b0)
    pltpu.sync_copy(b0, feat_hbm.at[c, 1, pl.ds(base, CH)])
    pltpu.sync_copy(accB.at[pl.ds(base + CH, rem)], b1.at[pl.ds(0, rem)])
    pltpu.sync_copy(b1.at[pl.ds(0, rem)], feat_hbm.at[c, 1, pl.ds(base + CH, rem)])

  return k(grid, src3, dst3)


def _combine(feat, count):
  def body(feat_ref, cnt_ref, out_ref):
    count = cnt_ref[...]
    out_ref[0] = (feat_ref[0, 0, :M] + feat_ref[1, 0, :M]) / count
    out_ref[1] = (feat_ref[0, 1, :M] + feat_ref[1, 1, :M]) / count

  return pl.pallas_call(
      body,
      out_shape=jax.ShapeDtypeStruct((B, M, D), jnp.float32),
  )(feat, count)


def kernel(grid_node_features, edge_index):
  src = edge_index[:, 0].astype(jnp.int32).reshape(NW, NCHUNK, CH)
  dst = edge_index[:, 1].astype(jnp.int32).reshape(NW, NCHUNK, CH)
  feat, cnt = _sc_scatter(grid_node_features, src, dst)
  count = jnp.maximum(cnt.sum(axis=(0, 1))[:M, None], 1.0)
  return _combine(feat, count)

# --- scband reference (transcript-rebuilt; emitter-appended) ---
"""Pipeline reference for scband-aggregation-encoder-72773925863845 (READ-ONLY COPY).

The authoritative reference and input builder live on the scoring server;
editing this copy changes nothing except your own understanding.
"""

import jax, jax.numpy as jnp
import numpy as np

B = 2
NUM_GRID = 10000
NUM_MESH = 2500
NUM_EDGES = 320000
D = 128


def setup_inputs(seed: int = 0) -> dict:
    key = jax.random.key(seed)
    k1, k2, k3 = jax.random.split(key, 3)
    grid_node_features = jax.random.normal(k1, (B, NUM_GRID, D), dtype=jnp.float32)
    src = jax.random.randint(k2, (NUM_EDGES,), 0, NUM_GRID)
    dst = jax.random.randint(k3, (NUM_EDGES,), 0, NUM_MESH)
    edge_index = jnp.stack([src, dst], axis=1)
    return {"grid_node_features": grid_node_features, "edge_index": edge_index}


def reference(grid_node_features, edge_index):
    # edge_index: [num_edges, 2]; column 0 = grid (source) node, column 1 = mesh (dst) node
    src = edge_index[:, 0]
    dst = edge_index[:, 1]
    # Gather grid node features along the edge source indices: [B, E, D]
    gathered = jnp.take(grid_node_features, src, axis=1)
    # Scatter-add into mesh node slots: [B, NUM_MESH, D]
    sums = jnp.zeros((grid_node_features.shape[0], NUM_MESH, grid_node_features.shape[2]),
                     dtype=grid_node_features.dtype).at[:, dst, :].add(gathered)
    # Mean aggregation: divide by per-mesh-node in-degree
    counts = jnp.zeros((NUM_MESH,), dtype=grid_node_features.dtype).at[dst].add(1.0)
    counts = jnp.clip(counts, 1.0)
    return sums / counts[None, :, None]

if __name__ == "__main__":
    import jax
    _d = setup_inputs()
    print(jax.jit(kernel)(*tuple(_d.values())))

</pallas_src>

<mosaic_0001>
#map = affine_map<(d0, d1) -> (0, 0, 0)>
#map1 = affine_map<(d0, d1) -> (0, 0, 0, 0)>
module attributes {stable_mosaic.version = 14 : i64} {
  func.func @k(%arg0: i32, %arg1: i32, %arg2: memref<2x10000x128xf32, #tpu.memory_space<hbm>>, %arg3: memref<32x100x100xi32, #tpu.memory_space<hbm>>, %arg4: memref<32x100x100xi32, #tpu.memory_space<hbm>>, %arg5: memref<2x2x2560x128xf32, #tpu.memory_space<hbm>>, %arg6: memref<2x16x2560xf32, #tpu.memory_space<hbm>>, %arg7: memref<100x100xi32, #tpu.memory_space<vmem>>, %arg8: memref<100x100xi32, #tpu.memory_space<vmem>>, %arg9: memref<100x128xf32, #tpu.memory_space<vmem>>, %arg10: memref<100x128xf32, #tpu.memory_space<vmem>>, %arg11: memref<100x128xf32, #tpu.memory_space<vmem>>, %arg12: memref<100x128xf32, #tpu.memory_space<vmem>>, %arg13: memref<2560xf32, #tpu.memory_space<vmem>>, %arg14: memref<2560x128xf32, #tpu.memory_space<vmem_shared>>, %arg15: memref<2560x128xf32, #tpu.memory_space<vmem_shared>>, %arg16: memref<!tpu.dma_semaphore, #tpu.memory_space<semaphore_mem>>, %arg17: memref<!tpu.dma_semaphore, #tpu.memory_space<semaphore_mem>>) attributes {dimension_semantics = [#tpu.dimension_semantics<core_parallel>, #tpu.dimension_semantics<subcore_parallel>], iteration_bounds = array<i64: 2, 16>, scalar_prefetch = 0 : i64, scratch_operands = 11 : i64, tpu.core_type = #tpu.core_type<sc_vector_subcore>, window_params = [{transform_indices = #map}, {transform_indices = #map}, {transform_indices = #map}, {transform_indices = #map1}, {transform_indices = #map}]} {
    %mul3A = arith.constant 16 : i32
    %mul3A_0 = arith.muli %arg0, %mul3A : i32
    %add3A = arith.addi %mul3A_0, %arg1 : i32
    "tpu.region"() ({
      %run_scoped3A_204 = tpu.sem_alloc : memref<!tpu.dma_semaphore, #tpu.memory_space<semaphore_mem>>
      %dma_start3A_205 = arith.constant 0 : i32
      %dma_start3A_206 = arith.constant 0 : i32
      %dma_start3A_207 = tpu.memref_slice %arg3[%add3A, %dma_start3A_205, %dma_start3A_206] : memref<32x100x100xi32, #tpu.memory_space<hbm>> -> memref<1x100x100xi32, #tpu.memory_space<hbm>>
      %dma_start3A_208 = tpu.memref_squeeze %dma_start3A_207 : memref<1x100x100xi32, #tpu.memory_space<hbm>> -> memref<100x100xi32, #tpu.memory_space<hbm>>
      %dma_start3A_209 = arith.constant 0 : i32
      %dma_start3A_210 = arith.constant 0 : i32
      %dma_start3A_211 = tpu.memref_slice %arg3[%add3A, %dma_start3A_209, %dma_start3A_210] : memref<32x100x100xi32, #tpu.memory_space<hbm>> -> memref<1x100x100xi32, #tpu.memory_space<hbm>>
      %dma_start3A_212 = tpu.memref_squeeze %dma_start3A_211 : memref<1x100x100xi32, #tpu.memory_space<hbm>> -> memref<100x100xi32, #tpu.memory_space<hbm>>
      tpu.enqueue_dma source(%dma_start3A_212 : memref<100x100xi32, #tpu.memory_space<hbm>>) target(%arg7 : memref<100x100xi32, #tpu.memory_space<vmem>>) target_semaphore(%run_scoped3A_204 : memref<!tpu.dma_semaphore, #tpu.memory_space<semaphore_mem>>)
      %dma_wait3A_213 = arith.constant 0 : i32
      %dma_wait3A_214 = arith.constant 0 : i32
      %dma_wait3A_215 = tpu.memref_slice %arg3[%add3A, %dma_wait3A_213, %dma_wait3A_214] : memref<32x100x100xi32, #tpu.memory_space<hbm>> -> memref<1x100x100xi32, #tpu.memory_space<hbm>>
      %dma_wait3A_216 = tpu.memref_squeeze %dma_wait3A_215 : memref<1x100x100xi32, #tpu.memory_space<hbm>> -> memref<100x100xi32, #tpu.memory_space<hbm>>
      %dma_wait3A_217 = arith.constant 0 : i32
      %dma_wait3A_218 = arith.constant 0 : i32
      %dma_wait3A_219 = tpu.memref_slice %arg3[%add3A, %dma_wait3A_217, %dma_wait3A_218] : memref<32x100x100xi32, #tpu.memory_space<hbm>> -> memref<1x100x100xi32, #tpu.memory_space<hbm>>
      %dma_wait3A_220 = tpu.memref_squeeze %dma_wait3A_219 : memref<1x100x100xi32, #tpu.memory_space<hbm>> -> memref<100x100xi32, #tpu.memory_space<hbm>>
      tpu.wait_dma2 semaphore(%run_scoped3A_204 : memref<!tpu.dma_semaphore, #tpu.memory_space<semaphore_mem>>) src(%dma_wait3A_220 : memref<100x100xi32, #tpu.memory_space<hbm>>) dst(%arg7 : memref<100x100xi32, #tpu.memory_space<vmem>>)
      tpu.yield
    }) : () -> ()
    "tpu.region"() ({
      %run_scoped3A_204 = tpu.sem_alloc : memref<!tpu.dma_semaphore, #tpu.memory_space<semaphore_mem>>
      %dma_start3A_205 = arith.constant 0 : i32
      %dma_start3A_206 = arith.constant 0 : i32
      %dma_start3A_207 = tpu.memref_slice %arg4[%add3A, %dma_start3A_205, %dma_start3A_206] : memref<32x100x100xi32, #tpu.memory_space<hbm>> -> memref<1x100x100xi32, #tpu.memory_space<hbm>>
      %dma_start3A_208 = tpu.memref_squeeze %dma_start3A_207 : memref<1x100x100xi32, #tpu.memory_space<hbm>> -> memref<100x100xi32, #tpu.memory_space<hbm>>
      %dma_start3A_209 = arith.constant 0 : i32
      %dma_start3A_210 = arith.constant 0 : i32
      %dma_start3A_211 = tpu.memref_slice %arg4[%add3A, %dma_start3A_209, %dma_start3A_210] : memref<32x100x100xi32, #tpu.memory_space<hbm>> -> memref<1x100x100xi32, #tpu.memory_space<hbm>>
      %dma_start3A_212 = tpu.memref_squeeze %dma_start3A_211 : memref<1x100x100xi32, #tpu.memory_space<hbm>> -> memref<100x100xi32, #tpu.memory_space<hbm>>
      tpu.enqueue_dma source(%dma_start3A_212 : memref<100x100xi32, #tpu.memory_space<hbm>>) target(%arg8 : memref<100x100xi32, #tpu.memory_space<vmem>>) target_semaphore(%run_scoped3A_204 : memref<!tpu.dma_semaphore, #tpu.memory_space<semaphore_mem>>)
      %dma_wait3A_213 = arith.constant 0 : i32
      %dma_wait3A_214 = arith.constant 0 : i32
      %dma_wait3A_215 = tpu.memref_slice %arg4[%add3A, %dma_wait3A_213, %dma_wait3A_214] : memref<32x100x100xi32, #tpu.memory_space<hbm>> -> memref<1x100x100xi32, #tpu.memory_space<hbm>>
      %dma_wait3A_216 = tpu.memref_squeeze %dma_wait3A_215 : memref<1x100x100xi32, #tpu.memory_space<hbm>> -> memref<100x100xi32, #tpu.memory_space<hbm>>
      %dma_wait3A_217 = arith.constant 0 : i32
      %dma_wait3A_218 = arith.constant 0 : i32
      %dma_wait3A_219 = tpu.memref_slice %arg4[%add3A, %dma_wait3A_217, %dma_wait3A_218] : memref<32x100x100xi32, #tpu.memory_space<hbm>> -> memref<1x100x100xi32, #tpu.memory_space<hbm>>
      %dma_wait3A_220 = tpu.memref_squeeze %dma_wait3A_219 : memref<1x100x100xi32, #tpu.memory_space<hbm>> -> memref<100x100xi32, #tpu.memory_space<hbm>>
      tpu.wait_dma2 semaphore(%run_scoped3A_204 : memref<!tpu.dma_semaphore, #tpu.memory_space<semaphore_mem>>) src(%dma_wait3A_220 : memref<100x100xi32, #tpu.memory_space<hbm>>) dst(%arg8 : memref<100x100xi32, #tpu.memory_space<vmem>>)
      tpu.yield
    }) : () -> ()
    %scan3A = arith.constant 0 : i32
    %scan3A_1 = arith.constant 0 : i32
    %scan3A_2 = arith.constant 100 : i32
    %scan3A_3 = arith.addi %scan3A_1, %scan3A_2 : i32
    %scan3A_4 = arith.constant 1 : i32
    scf.for %scan3A_204 = %scan3A_1 to %scan3A_3 step %scan3A_4  : i32 {
      %scan3A_205 = arith.constant 0 : i32
      %scan3A_206 = arith.constant 8 : i32
      %scan3A_207 = arith.addi %scan3A_205, %scan3A_206 : i32
      %scan3A_208 = arith.constant 1 : i32
      scf.for %scan3A_210 = %scan3A_205 to %scan3A_207 step %scan3A_208  : i32 {
        %broadcast_in_dim3A_211 = arith.constant 0.000000e+00 : f32
        %broadcast_in_dim3A_212 = vector.broadcast %broadcast_in_dim3A_211 : f32 to vector<16xf32>
        %mul3A_213 = arith.constant 16 : i32
        %mul3A_214 = arith.muli %scan3A_210, %mul3A_213 : i32
        %swap3A = arith.index_cast %scan3A_204 : i32 to index
        %swap3A_215 = arith.index_cast %mul3A_214 : i32 to index
        %swap3A_216 = tpu.vector_load %arg9[%swap3A, %swap3A_215] {strides = array<i32>} : memref<100x128xf32, #tpu.memory_space<vmem>>, vector<16xf32>,
        tpu.vector_store %arg9[%swap3A, %swap3A_215], %broadcast_in_dim3A_212 {strides = array<i32>} : memref<100x128xf32, #tpu.memory_space<vmem>>, vector<16xf32>,
      }
      %scan3A_209 = arith.constant 8 : i32
    }
    %scan3A_5 = arith.constant 100 : i32
    %iota3A = tpu.iota {dimensions = array<i32: 0>} : vector<16xi32>
    %broadcast_in_dim3A = arith.constant 1.000000e+00 : f32
    %broadcast_in_dim3A_6 = vector.broadcast %broadcast_in_dim3A : f32 to vector<16xf32>
    %scan3A_7 = arith.constant 0 : i32
    %scan3A_8 = arith.constant 0 : i32
    %scan3A_9 = arith.constant 160 : i32
    %scan3A_10 = arith.addi %scan3A_8, %scan3A_9 : i32
    %scan3A_11 = arith.constant 1 : i32
    scf.for %scan3A_204 = %scan3A_8 to %scan3A_10 step %scan3A_11  : i32 {
      %broadcast_in_dim3A_205 = arith.constant 0.000000e+00 : f32
      %broadcast_in_dim3A_206 = vector.broadcast %broadcast_in_dim3A_205 : f32 to vector<16xf32>
      %mul3A_207 = arith.constant 16 : i32
      %mul3A_208 = arith.muli %scan3A_204, %mul3A_207 : i32
      %swap3A = arith.index_cast %mul3A_208 : i32 to index
      %swap3A_209 = tpu.vector_load %arg13[%swap3A] {strides = array<i32>} : memref<2560xf32, #tpu.memory_space<vmem>>, vector<16xf32>,
      tpu.vector_store %arg13[%swap3A], %broadcast_in_dim3A_206 {strides = array<i32>} : memref<2560xf32, #tpu.memory_space<vmem>>, vector<16xf32>,
    }
    %scan3A_12 = arith.constant 160 : i32
    %mul3A_13 = arith.constant 160 : i32
    %mul3A_14 = arith.muli %arg1, %mul3A_13 : i32
    "tpu.region"() ({
      %run_scoped3A_204 = tpu.sem_alloc : memref<!tpu.dma_semaphore, #tpu.memory_space<semaphore_mem>>
      %dma_start3A_205 = arith.constant 0 : i32
      %dma_start3A_206 = tpu.memref_slice %arg14[%mul3A_14, %dma_start3A_205] : memref<2560x128xf32, #tpu.memory_space<vmem_shared>> -> memref<100x128xf32, #tpu.memory_space<vmem_shared>>
      %dma_start3A_207 = arith.constant 0 : i32
      %dma_start3A_208 = tpu.memref_slice %arg14[%mul3A_14, %dma_start3A_207] : memref<2560x128xf32, #tpu.memory_space<vmem_shared>> -> memref<100x128xf32, #tpu.memory_space<vmem_shared>>
      tpu.enqueue_dma source(%arg9 : memref<100x128xf32, #tpu.memory_space<vmem>>) target(%dma_start3A_208 : memref<100x128xf32, #tpu.memory_space<vmem_shared>>) target_semaphore(%run_scoped3A_204 : memref<!tpu.dma_semaphore, #tpu.memory_space<semaphore_mem>>)
      %dma_wait3A_209 = arith.constant 0 : i32
      %dma_wait3A_210 = tpu.memref_slice %arg14[%mul3A_14, %dma_wait3A_209] : memref<2560x128xf32, #tpu.memory_space<vmem_shared>> -> memref<100x128xf32, #tpu.memory_space<vmem_shared>>
      %dma_wait3A_211 = arith.constant 0 : i32
      %dma_wait3A_212 = tpu.memref_slice %arg14[%mul3A_14, %dma_wait3A_211] : memref<2560x128xf32, #tpu.memory_space<vmem_shared>> -> memref<100x128xf32, #tpu.memory_space<vmem_shared>>
      tpu.wait_dma2 semaphore(%run_scoped3A_204 : memref<!tpu.dma_semaphore, #tpu.memory_space<semaphore_mem>>) src(%arg9 : memref<100x128xf32, #tpu.memory_space<vmem>>) dst(%dma_wait3A_212 : memref<100x128xf32, #tpu.memory_space<vmem_shared>>)
      tpu.yield
    }) : () -> ()
    %add3A_15 = arith.constant 100 : i32
    %add3A_16 = arith.addi %mul3A_14, %add3A_15 : i32
    "tpu.region"() ({
      %run_scoped3A_204 = tpu.sem_alloc : memref<!tpu.dma_semaphore, #tpu.memory_space<semaphore_mem>>
      %dma_start3A_205 = arith.constant 0 : i32
      %dma_start3A_206 = arith.constant 0 : i32
      %dma_start3A_207 = tpu.memref_slice %arg9[%dma_start3A_205, %dma_start3A_206] : memref<100x128xf32, #tpu.memory_space<vmem>> -> memref<60x128xf32, #tpu.memory_space<vmem>>
      %dma_start3A_208 = arith.constant 0 : i32
      %dma_start3A_209 = tpu.memref_slice %arg14[%add3A_16, %dma_start3A_208] : memref<2560x128xf32, #tpu.memory_space<vmem_shared>> -> memref<60x128xf32, #tpu.memory_space<vmem_shared>>
      %dma_start3A_210 = arith.constant 0 : i32
      %dma_start3A_211 = tpu.memref_slice %arg14[%add3A_16, %dma_start3A_210] : memref<2560x128xf32, #tpu.memory_space<vmem_shared>> -> memref<60x128xf32, #tpu.memory_space<vmem_shared>>
      %dma_start3A_212 = arith.constant 0 : i32
      %dma_start3A_213 = arith.constant 0 : i32
      %dma_start3A_214 = tpu.memref_slice %arg9[%dma_start3A_212, %dma_start3A_213] : memref<100x128xf32, #tpu.memory_space<vmem>> -> memref<60x128xf32, #tpu.memory_space<vmem>>
      tpu.enqueue_dma source(%dma_start3A_214 : memref<60x128xf32, #tpu.memory_space<vmem>>) target(%dma_start3A_211 : memref<60x128xf32, #tpu.memory_space<vmem_shared>>) target_semaphore(%run_scoped3A_204 : memref<!tpu.dma_semaphore, #tpu.memory_space<semaphore_mem>>)
      %dma_wait3A_215 = arith.constant 0 : i32
      %dma_wait3A_216 = arith.constant 0 : i32
      %dma_wait3A_217 = tpu.memref_slice %arg9[%dma_wait3A_215, %dma_wait3A_216] : memref<100x128xf32, #tpu.memory_space<vmem>> -> memref<60x128xf32, #tpu.memory_space<vmem>>
      %dma_wait3A_218 = arith.constant 0 : i32
      %dma_wait3A_219 = tpu.memref_slice %arg14[%add3A_16, %dma_wait3A_218] : memref<2560x128xf32, #tpu.memory_space<vmem_shared>> -> memref<60x128xf32, #tpu.memory_space<vmem_shared>>
      %dma_wait3A_220 = arith.constant 0 : i32
      %dma_wait3A_221 = tpu.memref_slice %arg14[%add3A_16, %dma_wait3A_220] : memref<2560x128xf32, #tpu.memory_space<vmem_shared>> -> memref<60x128xf32, #tpu.memory_space<vmem_shared>>
      %dma_wait3A_222 = arith.constant 0 : i32
      %dma_wait3A_223 = arith.constant 0 : i32
      %dma_wait3A_224 = tpu.memref_slice %arg9[%dma_wait3A_222, %dma_wait3A_223] : memref<100x128xf32, #tpu.memory_space<vmem>> -> memref<60x128xf32, #tpu.memory_space<vmem>>
      tpu.wait_dma2 semaphore(%run_scoped3A_204 : memref<!tpu.dma_semaphore, #tpu.memory_space<semaphore_mem>>) src(%dma_wait3A_224 : memref<60x128xf32, #tpu.memory_space<vmem>>) dst(%dma_wait3A_221 : memref<60x128xf32, #tpu.memory_space<vmem_shared>>)
      tpu.yield
    }) : () -> ()
    "tpu.region"() ({
      %run_scoped3A_204 = tpu.sem_alloc : memref<!tpu.dma_semaphore, #tpu.memory_space<semaphore_mem>>
      %dma_start3A_205 = arith.constant 0 : i32
      %dma_start3A_206 = tpu.memref_slice %arg15[%mul3A_14, %dma_start3A_205] : memref<2560x128xf32, #tpu.memory_space<vmem_shared>> -> memref<100x128xf32, #tpu.memory_space<vmem_shared>>
      %dma_start3A_207 = arith.constant 0 : i32
      %dma_start3A_208 = tpu.memref_slice %arg15[%mul3A_14, %dma_start3A_207] : memref<2560x128xf32, #tpu.memory_space<vmem_shared>> -> memref<100x128xf32, #tpu.memory_space<vmem_shared>>
      tpu.enqueue_dma source(%arg9 : memref<100x128xf32, #tpu.memory_space<vmem>>) target(%dma_start3A_208 : memref<100x128xf32, #tpu.memory_space<vmem_shared>>) target_semaphore(%run_scoped3A_204 : memref<!tpu.dma_semaphore, #tpu.memory_space<semaphore_mem>>)
      %dma_wait3A_209 = arith.constant 0 : i32
      %dma_wait3A_210 = tpu.memref_slice %arg15[%mul3A_14, %dma_wait3A_209] : memref<2560x128xf32, #tpu.memory_space<vmem_shared>> -> memref<100x128xf32, #tpu.memory_space<vmem_shared>>
      %dma_wait3A_211 = arith.constant 0 : i32
      %dma_wait3A_212 = tpu.memref_slice %arg15[%mul3A_14, %dma_wait3A_211] : memref<2560x128xf32, #tpu.memory_space<vmem_shared>> -> memref<100x128xf32, #tpu.memory_space<vmem_shared>>
      tpu.wait_dma2 semaphore(%run_scoped3A_204 : memref<!tpu.dma_semaphore, #tpu.memory_space<semaphore_mem>>) src(%arg9 : memref<100x128xf32, #tpu.memory_space<vmem>>) dst(%dma_wait3A_212 : memref<100x128xf32, #tpu.memory_space<vmem_shared>>)
      tpu.yield
    }) : () -> ()
    %add3A_17 = arith.constant 100 : i32
    %add3A_18 = arith.addi %mul3A_14, %add3A_17 : i32
    "tpu.region"() ({
      %run_scoped3A_204 = tpu.sem_alloc : memref<!tpu.dma_semaphore, #tpu.memory_space<semaphore_mem>>
      %dma_start3A_205 = arith.constant 0 : i32
      %dma_start3A_206 = arith.constant 0 : i32
      %dma_start3A_207 = tpu.memref_slice %arg9[%dma_start3A_205, %dma_start3A_206] : memref<100x128xf32, #tpu.memory_space<vmem>> -> memref<60x128xf32, #tpu.memory_space<vmem>>
      %dma_start3A_208 = arith.constant 0 : i32
      %dma_start3A_209 = tpu.memref_slice %arg15[%add3A_18, %dma_start3A_208] : memref<2560x128xf32, #tpu.memory_space<vmem_shared>> -> memref<60x128xf32, #tpu.memory_space<vmem_shared>>
      %dma_start3A_210 = arith.constant 0 : i32
      %dma_start3A_211 = tpu.memref_slice %arg15[%add3A_18, %dma_start3A_210] : memref<2560x128xf32, #tpu.memory_space<vmem_shared>> -> memref<60x128xf32, #tpu.memory_space<vmem_shared>>
      %dma_start3A_212 = arith.constant 0 : i32
      %dma_start3A_213 = arith.constant 0 : i32
      %dma_start3A_214 = tpu.memref_slice %arg9[%dma_start3A_212, %dma_start3A_213] : memref<100x128xf32, #tpu.memory_space<vmem>> -> memref<60x128xf32, #tpu.memory_space<vmem>>
      tpu.enqueue_dma source(%dma_start3A_214 : memref<60x128xf32, #tpu.memory_space<vmem>>) target(%dma_start3A_211 : memref<60x128xf32, #tpu.memory_space<vmem_shared>>) target_semaphore(%run_scoped3A_204 : memref<!tpu.dma_semaphore, #tpu.memory_space<semaphore_mem>>)
      %dma_wait3A_215 = arith.constant 0 : i32
      %dma_wait3A_216 = arith.constant 0 : i32
      %dma_wait3A_217 = tpu.memref_slice %arg9[%dma_wait3A_215, %dma_wait3A_216] : memref<100x128xf32, #tpu.memory_space<vmem>> -> memref<60x128xf32, #tpu.memory_space<vmem>>
      %dma_wait3A_218 = arith.constant 0 : i32
      %dma_wait3A_219 = tpu.memref_slice %arg15[%add3A_18, %dma_wait3A_218] : memref<2560x128xf32, #tpu.memory_space<vmem_shared>> -> memref<60x128xf32, #tpu.memory_space<vmem_shared>>
      %dma_wait3A_220 = arith.constant 0 : i32
      %dma_wait3A_221 = tpu.memref_slice %arg15[%add3A_18, %dma_wait3A_220] : memref<2560x128xf32, #tpu.memory_space<vmem_shared>> -> memref<60x128xf32, #tpu.memory_space<vmem_shared>>
      %dma_wait3A_222 = arith.constant 0 : i32
      %dma_wait3A_223 = arith.constant 0 : i32
      %dma_wait3A_224 = tpu.memref_slice %arg9[%dma_wait3A_222, %dma_wait3A_223] : memref<100x128xf32, #tpu.memory_space<vmem>> -> memref<60x128xf32, #tpu.memory_space<vmem>>
      tpu.wait_dma2 semaphore(%run_scoped3A_204 : memref<!tpu.dma_semaphore, #tpu.memory_space<semaphore_mem>>) src(%dma_wait3A_224 : memref<60x128xf32, #tpu.memory_space<vmem>>) dst(%dma_wait3A_221 : memref<60x128xf32, #tpu.memory_space<vmem_shared>>)
      tpu.yield
    }) : () -> ()
    %barrier3A = arith.constant 0 : index
    tpu.barrier barrier_id(%barrier3A)
    %lt3A = arith.constant 4 : i32
    %lt3A_19 = vector.broadcast %lt3A : i32 to vector<16xi32>
    %lt3A_20 = arith.cmpi slt, %iota3A, %lt3A_19 : vector<16xi32>
    %dma_start3A = arith.constant 0 : i32
    %dma_start3A_21 = arith.constant 0 : i32
    %dma_start3A_22 = arith.constant 0 : i32
    %dma_start3A_23 = tpu.memref_slice %arg7[%dma_start3A_21, %dma_start3A_22] : memref<100x100xi32, #tpu.memory_space<vmem>> -> memref<1x100xi32, #tpu.memory_space<vmem>>
    %dma_start3A_24 = tpu.memref_squeeze %dma_start3A_23 : memref<1x100xi32, #tpu.memory_space<vmem>> -> memref<100xi32, #tpu.memory_space<vmem>>
    %dma_start3A_25 = arith.constant 0 : i32
    %dma_start3A_26 = arith.constant 0 : i32
    %dma_start3A_27 = tpu.memref_slice %arg2[%dma_start3A, %dma_start3A_25, %dma_start3A_26] : memref<2x10000x128xf32, #tpu.memory_space<hbm>> -> memref<1x10000x128xf32, #tpu.memory_space<hbm>>
    %dma_start3A_28 = tpu.memref_squeeze %dma_start3A_27 : memref<1x10000x128xf32, #tpu.memory_space<hbm>> -> memref<10000x128xf32, #tpu.memory_space<hbm>>
    %dma_start3A_29 = arith.constant 0 : i32
    %dma_start3A_30 = arith.constant 0 : i32
    %dma_start3A_31 = tpu.memref_slice %dma_start3A_28[%dma_start3A_29, %dma_start3A_30] : memref<10000x128xf32, #tpu.memory_space<hbm>> -> memref<10000x128xf32, #tpu.memory_space<hbm>>
    tpu.enqueue_indirect_dma source(%dma_start3A_31 : memref<10000x128xf32, #tpu.memory_space<hbm>>) target(%arg9 : memref<100x128xf32, #tpu.memory_space<vmem>>) offsets(%dma_start3A_24 : memref<100xi32, #tpu.memory_space<vmem>>) semaphore(%arg16 : memref<!tpu.dma_semaphore, #tpu.memory_space<semaphore_mem>>)
    %dma_start3A_32 = arith.constant 1 : i32
    %dma_start3A_33 = arith.constant 0 : i32
    %dma_start3A_34 = arith.constant 0 : i32
    %dma_start3A_35 = tpu.memref_slice %arg7[%dma_start3A_33, %dma_start3A_34] : memref<100x100xi32, #tpu.memory_space<vmem>> -> memref<1x100xi32, #tpu.memory_space<vmem>>
    %dma_start3A_36 = tpu.memref_squeeze %dma_start3A_35 : memref<1x100xi32, #tpu.memory_space<vmem>> -> memref<100xi32, #tpu.memory_space<vmem>>
    %dma_start3A_37 = arith.constant 0 : i32
    %dma_start3A_38 = arith.constant 0 : i32
    %dma_start3A_39 = tpu.memref_slice %arg2[%dma_start3A_32, %dma_start3A_37, %dma_start3A_38] : memref<2x10000x128xf32, #tpu.memory_space<hbm>> -> memref<1x10000x128xf32, #tpu.memory_space<hbm>>
    %dma_start3A_40 = tpu.memref_squeeze %dma_start3A_39 : memref<1x10000x128xf32, #tpu.memory_space<hbm>> -> memref<10000x128xf32, #tpu.memory_space<hbm>>
    %dma_start3A_41 = arith.constant 0 : i32
    %dma_start3A_42 = arith.constant 0 : i32
    %dma_start3A_43 = tpu.memref_slice %dma_start3A_40[%dma_start3A_41, %dma_start3A_42] : memref<10000x128xf32, #tpu.memory_space<hbm>> -> memref<10000x128xf32, #tpu.memory_space<hbm>>
    tpu.enqueue_indirect_dma source(%dma_start3A_43 : memref<10000x128xf32, #tpu.memory_space<hbm>>) target(%arg11 : memref<100x128xf32, #tpu.memory_space<vmem>>) offsets(%dma_start3A_36 : memref<100xi32, #tpu.memory_space<vmem>>) semaphore(%arg16 : memref<!tpu.dma_semaphore, #tpu.memory_space<semaphore_mem>>)
    %scan3A_44 = arith.constant 0 : i32
    %scan3A_45 = arith.constant 0 : i32
    %scan3A_46 = arith.constant 1 : i32
    %scan3A_47 = arith.constant 0 : i32
    %scan3A_48 = arith.constant 49 : i32
    %scan3A_49 = arith.addi %scan3A_47, %scan3A_48 : i32
    %scan3A_50 = arith.constant 1 : i32
    scf.for %scan3A_204 = %scan3A_47 to %scan3A_49 step %scan3A_50  : i32 {
      %mul3A_205 = arith.constant 2 : i32
      %mul3A_206 = arith.muli %scan3A_204, %mul3A_205 : i32
      %add3A_207 = arith.constant 1 : i32
      %add3A_208 = arith.addi %mul3A_206, %add3A_207 : i32
      %dma_start3A_209 = arith.constant 0 : i32
      %dma_start3A_210 = tpu.memref_slice %arg7[%add3A_208, %dma_start3A_209] : memref<100x100xi32, #tpu.memory_space<vmem>> -> memref<1x100xi32, #tpu.memory_space<vmem>>
      %dma_start3A_211 = tpu.memref_squeeze %dma_start3A_210 : memref<1x100xi32, #tpu.memory_space<vmem>> -> memref<100xi32, #tpu.memory_space<vmem>>
      %dma_start3A_212 = arith.constant 0 : i32
      %dma_start3A_213 = arith.constant 0 : i32
      %dma_start3A_214 = tpu.memref_slice %arg2[%scan3A_45, %dma_start3A_212, %dma_start3A_213] : memref<2x10000x128xf32, #tpu.memory_space<hbm>> -> memref<1x10000x128xf32, #tpu.memory_space<hbm>>
      %dma_start3A_215 = tpu.memref_squeeze %dma_start3A_214 : memref<1x10000x128xf32, #tpu.memory_space<hbm>> -> memref<10000x128xf32, #tpu.memory_space<hbm>>
      %dma_start3A_216 = arith.constant 0 : i32
      %dma_start3A_217 = arith.constant 0 : i32
      %dma_start3A_218 = tpu.memref_slice %dma_start3A_215[%dma_start3A_216, %dma_start3A_217] : memref<10000x128xf32, #tpu.memory_space<hbm>> -> memref<10000x128xf32, #tpu.memory_space<hbm>>
      tpu.enqueue_indirect_dma source(%dma_start3A_218 : memref<10000x128xf32, #tpu.memory_space<hbm>>) target(%arg10 : memref<100x128xf32, #tpu.memory_space<vmem>>) offsets(%dma_start3A_211 : memref<100xi32, #tpu.memory_space<vmem>>) semaphore(%arg17 : memref<!tpu.dma_semaphore, #tpu.memory_space<semaphore_mem>>)
      %dma_start3A_219 = arith.constant 0 : i32
      %dma_start3A_220 = tpu.memref_slice %arg7[%add3A_208, %dma_start3A_219] : memref<100x100xi32, #tpu.memory_space<vmem>> -> memref<1x100xi32, #tpu.memory_space<vmem>>
      %dma_start3A_221 = tpu.memref_squeeze %dma_start3A_220 : memref<1x100xi32, #tpu.memory_space<vmem>> -> memref<100xi32, #tpu.memory_space<vmem>>
      %dma_start3A_222 = arith.constant 0 : i32
      %dma_start3A_223 = arith.constant 0 : i32
      %dma_start3A_224 = tpu.memref_slice %arg2[%scan3A_46, %dma_start3A_222, %dma_start3A_223] : memref<2x10000x128xf32, #tpu.memory_space<hbm>> -> memref<1x10000x128xf32, #tpu.memory_space<hbm>>
      %dma_start3A_225 = tpu.memref_squeeze %dma_start3A_224 : memref<1x10000x128xf32, #tpu.memory_space<hbm>> -> memref<10000x128xf32, #tpu.memory_space<hbm>>
      %dma_start3A_226 = arith.constant 0 : i32
      %dma_start3A_227 = arith.constant 0 : i32
      %dma_start3A_228 = tpu.memref_slice %dma_start3A_225[%dma_start3A_226, %dma_start3A_227] : memref<10000x128xf32, #tpu.memory_space<hbm>> -> memref<10000x128xf32, #tpu.memory_space<hbm>>
      tpu.enqueue_indirect_dma source(%dma_start3A_228 : memref<10000x128xf32, #tpu.memory_space<hbm>>) target(%arg12 : memref<100x128xf32, #tpu.memory_space<vmem>>) offsets(%dma_start3A_221 : memref<100xi32, #tpu.memory_space<vmem>>) semaphore(%arg17 : memref<!tpu.dma_semaphore, #tpu.memory_space<semaphore_mem>>)
      %dma_wait3A_229 = arith.constant 0 : i32
      %dma_wait3A_230 = tpu.memref_slice %arg7[%mul3A_206, %dma_wait3A_229] : memref<100x100xi32, #tpu.memory_space<vmem>> -> memref<1x100xi32, #tpu.memory_space<vmem>>
      %dma_wait3A_231 = tpu.memref_squeeze %dma_wait3A_230 : memref<1x100xi32, #tpu.memory_space<vmem>> -> memref<100xi32, #tpu.memory_space<vmem>>
      %dma_wait3A_232 = arith.constant 0 : i32
      %dma_wait3A_233 = arith.constant 0 : i32
      %dma_wait3A_234 = tpu.memref_slice %arg2[%scan3A_45, %dma_wait3A_232, %dma_wait3A_233] : memref<2x10000x128xf32, #tpu.memory_space<hbm>> -> memref<1x10000x128xf32, #tpu.memory_space<hbm>>
      %dma_wait3A_235 = tpu.memref_squeeze %dma_wait3A_234 : memref<1x10000x128xf32, #tpu.memory_space<hbm>> -> memref<10000x128xf32, #tpu.memory_space<hbm>>
      %dma_wait3A_236 = arith.constant 0 : i32
      %dma_wait3A_237 = arith.constant 0 : i32
      %dma_wait3A_238 = tpu.memref_slice %dma_wait3A_235[%dma_wait3A_236, %dma_wait3A_237] : memref<10000x128xf32, #tpu.memory_space<hbm>> -> memref<10000x128xf32, #tpu.memory_space<hbm>>
      tpu.wait_indirect_dma semaphore(%arg16 : memref<!tpu.dma_semaphore, #tpu.memory_space<semaphore_mem>>) src(%dma_wait3A_238 : memref<10000x128xf32, #tpu.memory_space<hbm>>) dst(%arg9 : memref<100x128xf32, #tpu.memory_space<vmem>>)
      %dma_wait3A_239 = arith.constant 0 : i32
      %dma_wait3A_240 = tpu.memref_slice %arg7[%mul3A_206, %dma_wait3A_239] : memref<100x100xi32, #tpu.memory_space<vmem>> -> memref<1x100xi32, #tpu.memory_space<vmem>>
      %dma_wait3A_241 = tpu.memref_squeeze %dma_wait3A_240 : memref<1x100xi32, #tpu.memory_space<vmem>> -> memref<100xi32, #tpu.memory_space<vmem>>
      %dma_wait3A_242 = arith.constant 0 : i32
      %dma_wait3A_243 = arith.constant 0 : i32
      %dma_wait3A_244 = tpu.memref_slice %arg2[%scan3A_46, %dma_wait3A_242, %dma_wait3A_243] : memref<2x10000x128xf32, #tpu.memory_space<hbm>> -> memref<1x10000x128xf32, #tpu.memory_space<hbm>>
      %dma_wait3A_245 = tpu.memref_squeeze %dma_wait3A_244 : memref<1x10000x128xf32, #tpu.memory_space<hbm>> -> memref<10000x128xf32, #tpu.memory_space<hbm>>
      %dma_wait3A_246 = arith.constant 0 : i32
      %dma_wait3A_247 = arith.constant 0 : i32
      %dma_wait3A_248 = tpu.memref_slice %dma_wait3A_245[%dma_wait3A_246, %dma_wait3A_247] : memref<10000x128xf32, #tpu.memory_space<hbm>> -> memref<10000x128xf32, #tpu.memory_space<hbm>>
      tpu.wait_indirect_dma semaphore(%arg16 : memref<!tpu.dma_semaphore, #tpu.memory_space<semaphore_mem>>) src(%dma_wait3A_248 : memref<10000x128xf32, #tpu.memory_space<hbm>>) dst(%arg11 : memref<100x128xf32, #tpu.memory_space<vmem>>)
      "tpu.region"() ({
        %run_scoped3A_343 = tpu.sem_alloc : memref<!tpu.dma_semaphore, #tpu.memory_space<semaphore_mem>>
        %dma_start3A_344 = arith.constant 0 : i32
        %dma_start3A_345 = tpu.memref_slice %arg8[%mul3A_206, %dma_start3A_344] : memref<100x100xi32, #tpu.memory_space<vmem>> -> memref<1x100xi32, #tpu.memory_space<vmem>>
        %dma_start3A_346 = tpu.memref_squeeze %dma_start3A_345 : memref<1x100xi32, #tpu.memory_space<vmem>> -> memref<100xi32, #tpu.memory_space<vmem>>
        %dma_start3A_347 = arith.constant 0 : i32
        %dma_start3A_348 = arith.constant 0 : i32
        %dma_start3A_349 = tpu.memref_slice %arg14[%dma_start3A_347, %dma_start3A_348] : memref<2560x128xf32, #tpu.memory_space<vmem_shared>> -> memref<2560x128xf32, #tpu.memory_space<vmem_shared>>
        tpu.enqueue_indirect_dma source(%arg9 : memref<100x128xf32, #tpu.memory_space<vmem>>) target(%dma_start3A_349 : memref<2560x128xf32, #tpu.memory_space<vmem_shared>>) offsets(%dma_start3A_346 : memref<100xi32, #tpu.memory_space<vmem>>) semaphore(%run_scoped3A_343 : memref<!tpu.dma_semaphore, #tpu.memory_space<semaphore_mem>>) {add = true}
        %dma_wait3A_350 = arith.constant 0 : i32
        %dma_wait3A_351 = tpu.memref_slice %arg8[%mul3A_206, %dma_wait3A_350] : memref<100x100xi32, #tpu.memory_space<vmem>> -> memref<1x100xi32, #tpu.memory_space<vmem>>
        %dma_wait3A_352 = tpu.memref_squeeze %dma_wait3A_351 : memref<1x100xi32, #tpu.memory_space<vmem>> -> memref<100xi32, #tpu.memory_space<vmem>>
        %dma_wait3A_353 = arith.constant 0 : i32
        %dma_wait3A_354 = arith.constant 0 : i32
        %dma_wait3A_355 = tpu.memref_slice %arg14[%dma_wait3A_353, %dma_wait3A_354] : memref<2560x128xf32, #tpu.memory_space<vmem_shared>> -> memref<2560x128xf32, #tpu.memory_space<vmem_shared>>
        tpu.wait_indirect_dma semaphore(%run_scoped3A_343 : memref<!tpu.dma_semaphore, #tpu.memory_space<semaphore_mem>>) src(%arg9 : memref<100x128xf32, #tpu.memory_space<vmem>>) dst(%dma_wait3A_355 : memref<2560x128xf32, #tpu.memory_space<vmem_shared>>)
        tpu.yield
      }) : () -> ()
      "tpu.region"() ({
        %run_scoped3A_343 = tpu.sem_alloc : memref<!tpu.dma_semaphore, #tpu.memory_space<semaphore_mem>>
        %dma_start3A_344 = arith.constant 0 : i32
        %dma_start3A_345 = tpu.memref_slice %arg8[%mul3A_206, %dma_start3A_344] : memref<100x100xi32, #tpu.memory_space<vmem>> -> memref<1x100xi32, #tpu.memory_space<vmem>>
        %dma_start3A_346 = tpu.memref_squeeze %dma_start3A_345 : memref<1x100xi32, #tpu.memory_space<vmem>> -> memref<100xi32, #tpu.memory_space<vmem>>
        %dma_start3A_347 = arith.constant 0 : i32
        %dma_start3A_348 = arith.constant 0 : i32
        %dma_start3A_349 = tpu.memref_slice %arg15[%dma_start3A_347, %dma_start3A_348] : memref<2560x128xf32, #tpu.memory_space<vmem_shared>> -> memref<2560x128xf32, #tpu.memory_space<vmem_shared>>
        tpu.enqueue_indirect_dma source(%arg11 : memref<100x128xf32, #tpu.memory_space<vmem>>) target(%dma_start3A_349 : memref<2560x128xf32, #tpu.memory_space<vmem_shared>>) offsets(%dma_start3A_346 : memref<100xi32, #tpu.memory_space<vmem>>) semaphore(%run_scoped3A_343 : memref<!tpu.dma_semaphore, #tpu.memory_space<semaphore_mem>>) {add = true}
        %dma_wait3A_350 = arith.constant 0 : i32
        %dma_wait3A_351 = tpu.memref_slice %arg8[%mul3A_206, %dma_wait3A_350] : memref<100x100xi32, #tpu.memory_space<vmem>> -> memref<1x100xi32, #tpu.memory_space<vmem>>
        %dma_wait3A_352 = tpu.memref_squeeze %dma_wait3A_351 : memref<1x100xi32, #tpu.memory_space<vmem>> -> memref<100xi32, #tpu.memory_space<vmem>>
        %dma_wait3A_353 = arith.constant 0 : i32
        %dma_wait3A_354 = arith.constant 0 : i32
        %dma_wait3A_355 = tpu.memref_slice %arg15[%dma_wait3A_353, %dma_wait3A_354] : memref<2560x128xf32, #tpu.memory_space<vmem_shared>> -> memref<2560x128xf32, #tpu.memory_space<vmem_shared>>
        tpu.wait_indirect_dma semaphore(%run_scoped3A_343 : memref<!tpu.dma_semaphore, #tpu.memory_space<semaphore_mem>>) src(%arg11 : memref<100x128xf32, #tpu.memory_space<vmem>>) dst(%dma_wait3A_355 : memref<2560x128xf32, #tpu.memory_space<vmem_shared>>)
        tpu.yield
      }) : () -> ()
      %get3A_249 = arith.index_cast %mul3A_206 : i32 to index
      %get3A_250 = arith.constant 0 : index
      %get3A_251 = tpu.vector_load %arg8[%get3A_249, %get3A_250] {strides = array<i32>} : memref<100x100xi32, #tpu.memory_space<vmem>>, vector<16xi32>,
      tpu.vector_store_idx %arg13[%get3A_251], %broadcast_in_dim3A_6 {add = true} : memref<2560xf32, #tpu.memory_space<vmem>>[vector<16xi32>], vector<16xf32>,
      %get3A_252 = arith.index_cast %mul3A_206 : i32 to index
      %get3A_253 = arith.constant 16 : index
      %get3A_254 = tpu.vector_load %arg8[%get3A_252, %get3A_253] {strides = array<i32>} : memref<100x100xi32, #tpu.memory_space<vmem>>, vector<16xi32>,
      tpu.vector_store_idx %arg13[%get3A_254], %broadcast_in_dim3A_6 {add = true} : memref<2560xf32, #tpu.memory_space<vmem>>[vector<16xi32>], vector<16xf32>,
      %get3A_255 = arith.index_cast %mul3A_206 : i32 to index
      %get3A_256 = arith.constant 32 : index
      %get3A_257 = tpu.vector_load %arg8[%get3A_255, %get3A_256] {strides = array<i32>} : memref<100x100xi32, #tpu.memory_space<vmem>>, vector<16xi32>,
      tpu.vector_store_idx %arg13[%get3A_257], %broadcast_in_dim3A_6 {add = true} : memref<2560xf32, #tpu.memory_space<vmem>>[vector<16xi32>], vector<16xf32>,
      %get3A_258 = arith.index_cast %mul3A_206 : i32 to index
      %get3A_259 = arith.constant 48 : index
      %get3A_260 = tpu.vector_load %arg8[%get3A_258, %get3A_259] {strides = array<i32>} : memref<100x100xi32, #tpu.memory_space<vmem>>, vector<16xi32>,
      tpu.vector_store_idx %arg13[%get3A_260], %broadcast_in_dim3A_6 {add = true} : memref<2560xf32, #tpu.memory_space<vmem>>[vector<16xi32>], vector<16xf32>,
      %get3A_261 = arith.index_cast %mul3A_206 : i32 to index
      %get3A_262 = arith.constant 64 : index
      %get3A_263 = tpu.vector_load %arg8[%get3A_261, %get3A_262] {strides = array<i32>} : memref<100x100xi32, #tpu.memory_space<vmem>>, vector<16xi32>,
      tpu.vector_store_idx %arg13[%get3A_263], %broadcast_in_dim3A_6 {add = true} : memref<2560xf32, #tpu.memory_space<vmem>>[vector<16xi32>], vector<16xf32>,
      %get3A_264 = arith.index_cast %mul3A_206 : i32 to index
      %get3A_265 = arith.constant 80 : index
      %get3A_266 = tpu.vector_load %arg8[%get3A_264, %get3A_265] {strides = array<i32>} : memref<100x100xi32, #tpu.memory_space<vmem>>, vector<16xi32>,
      tpu.vector_store_idx %arg13[%get3A_266], %broadcast_in_dim3A_6 {add = true} : memref<2560xf32, #tpu.memory_space<vmem>>[vector<16xi32>], vector<16xf32>,
      %broadcast_in_dim3A_267 = vector.broadcast %mul3A_206 : i32 to vector<16xi32>
      %add3A_268 = arith.constant 96 : i32
      %add3A_269 = vector.broadcast %add3A_268 : i32 to vector<16xi32>
      %add3A_270 = arith.addi %add3A_269, %iota3A : vector<16xi32>
      %gather3A_271 = tpu.vector_load_idx %arg8[%broadcast_in_dim3A_267, %add3A_270] masked %lt3A_20 : memref<100x100xi32, #tpu.memory_space<vmem>>[vector<16xi32>, vector<16xi32>], vector<16xi32>, vector<16xi1>
      tpu.vector_store_idx %arg13[%gather3A_271], %broadcast_in_dim3A_6 masked %lt3A_20 {add = true} : memref<2560xf32, #tpu.memory_space<vmem>>[vector<16xi32>], vector<16xf32>, vector<16xi1>
      %add3A_272 = arith.constant 2 : i32
      %add3A_273 = arith.addi %mul3A_206, %add3A_272 : i32
      %dma_start3A_274 = arith.constant 0 : i32
      %dma_start3A_275 = tpu.memref_slice %arg7[%add3A_273, %dma_start3A_274] : memref<100x100xi32, #tpu.memory_space<vmem>> -> memref<1x100xi32, #tpu.memory_space<vmem>>
      %dma_start3A_276 = tpu.memref_squeeze %dma_start3A_275 : memref<1x100xi32, #tpu.memory_space<vmem>> -> memref<100xi32, #tpu.memory_space<vmem>>
      %dma_start3A_277 = arith.constant 0 : i32
      %dma_start3A_278 = arith.constant 0 : i32
      %dma_start3A_279 = tpu.memref_slice %arg2[%scan3A_45, %dma_start3A_277, %dma_start3A_278] : memref<2x10000x128xf32, #tpu.memory_space<hbm>> -> memref<1x10000x128xf32, #tpu.memory_space<hbm>>
      %dma_start3A_280 = tpu.memref_squeeze %dma_start3A_279 : memref<1x10000x128xf32, #tpu.memory_space<hbm>> -> memref<10000x128xf32, #tpu.memory_space<hbm>>
      %dma_start3A_281 = arith.constant 0 : i32
      %dma_start3A_282 = arith.constant 0 : i32
      %dma_start3A_283 = tpu.memref_slice %dma_start3A_280[%dma_start3A_281, %dma_start3A_282] : memref<10000x128xf32, #tpu.memory_space<hbm>> -> memref<10000x128xf32, #tpu.memory_space<hbm>>
      tpu.enqueue_indirect_dma source(%dma_start3A_283 : memref<10000x128xf32, #tpu.memory_space<hbm>>) target(%arg9 : memref<100x128xf32, #tpu.memory_space<vmem>>) offsets(%dma_start3A_276 : memref<100xi32, #tpu.memory_space<vmem>>) semaphore(%arg16 : memref<!tpu.dma_semaphore, #tpu.memory_space<semaphore_mem>>)
      %dma_start3A_284 = arith.constant 0 : i32
      %dma_start3A_285 = tpu.memref_slice %arg7[%add3A_273, %dma_start3A_284] : memref<100x100xi32, #tpu.memory_space<vmem>> -> memref<1x100xi32, #tpu.memory_space<vmem>>
      %dma_start3A_286 = tpu.memref_squeeze %dma_start3A_285 : memref<1x100xi32, #tpu.memory_space<vmem>> -> memref<100xi32, #tpu.memory_space<vmem>>
      %dma_start3A_287 = arith.constant 0 : i32
      %dma_start3A_288 = arith.constant 0 : i32
      %dma_start3A_289 = tpu.memref_slice %arg2[%scan3A_46, %dma_start3A_287, %dma_start3A_288] : memref<2x10000x128xf32, #tpu.memory_space<hbm>> -> memref<1x10000x128xf32, #tpu.memory_space<hbm>>
      %dma_start3A_290 = tpu.memref_squeeze %dma_start3A_289 : memref<1x10000x128xf32, #tpu.memory_space<hbm>> -> memref<10000x128xf32, #tpu.memory_space<hbm>>
      %dma_start3A_291 = arith.constant 0 : i32
      %dma_start3A_292 = arith.constant 0 : i32
      %dma_start3A_293 = tpu.memref_slice %dma_start3A_290[%dma_start3A_291, %dma_start3A_292] : memref<10000x128xf32, #tpu.memory_space<hbm>> -> memref<10000x128xf32, #tpu.memory_space<hbm>>
      tpu.enqueue_indirect_dma source(%dma_start3A_293 : memref<10000x128xf32, #tpu.memory_space<hbm>>) target(%arg11 : memref<100x128xf32, #tpu.memory_space<vmem>>) offsets(%dma_start3A_286 : memref<100xi32, #tpu.memory_space<vmem>>) semaphore(%arg16 : memref<!tpu.dma_semaphore, #tpu.memory_space<semaphore_mem>>)
      %add3A_294 = arith.constant 1 : i32
      %add3A_295 = arith.addi %mul3A_206, %add3A_294 : i32
      %dma_wait3A_296 = arith.constant 0 : i32
      %dma_wait3A_297 = tpu.memref_slice %arg7[%add3A_295, %dma_wait3A_296] : memref<100x100xi32, #tpu.memory_space<vmem>> -> memref<1x100xi32, #tpu.memory_space<vmem>>
      %dma_wait3A_298 = tpu.memref_squeeze %dma_wait3A_297 : memref<1x100xi32, #tpu.memory_space<vmem>> -> memref<100xi32, #tpu.memory_space<vmem>>
      %dma_wait3A_299 = arith.constant 0 : i32
      %dma_wait3A_300 = arith.constant 0 : i32
      %dma_wait3A_301 = tpu.memref_slice %arg2[%scan3A_45, %dma_wait3A_299, %dma_wait3A_300] : memref<2x10000x128xf32, #tpu.memory_space<hbm>> -> memref<1x10000x128xf32, #tpu.memory_space<hbm>>
      %dma_wait3A_302 = tpu.memref_squeeze %dma_wait3A_301 : memref<1x10000x128xf32, #tpu.memory_space<hbm>> -> memref<10000x128xf32, #tpu.memory_space<hbm>>
      %dma_wait3A_303 = arith.constant 0 : i32
      %dma_wait3A_304 = arith.constant 0 : i32
      %dma_wait3A_305 = tpu.memref_slice %dma_wait3A_302[%dma_wait3A_303, %dma_wait3A_304] : memref<10000x128xf32, #tpu.memory_space<hbm>> -> memref<10000x128xf32, #tpu.memory_space<hbm>>
      tpu.wait_indirect_dma semaphore(%arg17 : memref<!tpu.dma_semaphore, #tpu.memory_space<semaphore_mem>>) src(%dma_wait3A_305 : memref<10000x128xf32, #tpu.memory_space<hbm>>) dst(%arg10 : memref<100x128xf32, #tpu.memory_space<vmem>>)
      %dma_wait3A_306 = arith.constant 0 : i32
      %dma_wait3A_307 = tpu.memref_slice %arg7[%add3A_295, %dma_wait3A_306] : memref<100x100xi32, #tpu.memory_space<vmem>> -> memref<1x100xi32, #tpu.memory_space<vmem>>
      %dma_wait3A_308 = tpu.memref_squeeze %dma_wait3A_307 : memref<1x100xi32, #tpu.memory_space<vmem>> -> memref<100xi32, #tpu.memory_space<vmem>>
      %dma_wait3A_309 = arith.constant 0 : i32
      %dma_wait3A_310 = arith.constant 0 : i32
      %dma_wait3A_311 = tpu.memref_slice %arg2[%scan3A_46, %dma_wait3A_309, %dma_wait3A_310] : memref<2x10000x128xf32, #tpu.memory_space<hbm>> -> memref<1x10000x128xf32, #tpu.memory_space<hbm>>
      %dma_wait3A_312 = tpu.memref_squeeze %dma_wait3A_311 : memref<1x10000x128xf32, #tpu.memory_space<hbm>> -> memref<10000x128xf32, #tpu.memory_space<hbm>>
      %dma_wait3A_313 = arith.constant 0 : i32
      %dma_wait3A_314 = arith.constant 0 : i32
      %dma_wait3A_315 = tpu.memref_slice %dma_wait3A_312[%dma_wait3A_313, %dma_wait3A_314] : memref<10000x128xf32, #tpu.memory_space<hbm>> -> memref<10000x128xf32, #tpu.memory_space<hbm>>
      tpu.wait_indirect_dma semaphore(%arg17 : memref<!tpu.dma_semaphore, #tpu.memory_space<semaphore_mem>>) src(%dma_wait3A_315 : memref<10000x128xf32, #tpu.memory_space<hbm>>) dst(%arg12 : memref<100x128xf32, #tpu.memory_space<vmem>>)
      %add3A_316 = arith.constant 1 : i32
      %add3A_317 = arith.addi %mul3A_206, %add3A_316 : i32
      "tpu.region"() ({
        %run_scoped3A_343 = tpu.sem_alloc : memref<!tpu.dma_semaphore, #tpu.memory_space<semaphore_mem>>
        %dma_start3A_344 = arith.constant 0 : i32
        %dma_start3A_345 = tpu.memref_slice %arg8[%add3A_317, %dma_start3A_344] : memref<100x100xi32, #tpu.memory_space<vmem>> -> memref<1x100xi32, #tpu.memory_space<vmem>>
        %dma_start3A_346 = tpu.memref_squeeze %dma_start3A_345 : memref<1x100xi32, #tpu.memory_space<vmem>> -> memref<100xi32, #tpu.memory_space<vmem>>
        %dma_start3A_347 = arith.constant 0 : i32
        %dma_start3A_348 = arith.constant 0 : i32
        %dma_start3A_349 = tpu.memref_slice %arg14[%dma_start3A_347, %dma_start3A_348] : memref<2560x128xf32, #tpu.memory_space<vmem_shared>> -> memref<2560x128xf32, #tpu.memory_space<vmem_shared>>
        tpu.enqueue_indirect_dma source(%arg10 : memref<100x128xf32, #tpu.memory_space<vmem>>) target(%dma_start3A_349 : memref<2560x128xf32, #tpu.memory_space<vmem_shared>>) offsets(%dma_start3A_346 : memref<100xi32, #tpu.memory_space<vmem>>) semaphore(%run_scoped3A_343 : memref<!tpu.dma_semaphore, #tpu.memory_space<semaphore_mem>>) {add = true}
        %dma_wait3A_350 = arith.constant 0 : i32
        %dma_wait3A_351 = tpu.memref_slice %arg8[%add3A_317, %dma_wait3A_350] : memref<100x100xi32, #tpu.memory_space<vmem>> -> memref<1x100xi32, #tpu.memory_space<vmem>>
        %dma_wait3A_352 = tpu.memref_squeeze %dma_wait3A_351 : memref<1x100xi32, #tpu.memory_space<vmem>> -> memref<100xi32, #tpu.memory_space<vmem>>
        %dma_wait3A_353 = arith.constant 0 : i32
        %dma_wait3A_354 = arith.constant 0 : i32
        %dma_wait3A_355 = tpu.memref_slice %arg14[%dma_wait3A_353, %dma_wait3A_354] : memref<2560x128xf32, #tpu.memory_space<vmem_shared>> -> memref<2560x128xf32, #tpu.memory_space<vmem_shared>>
        tpu.wait_indirect_dma semaphore(%run_scoped3A_343 : memref<!tpu.dma_semaphore, #tpu.memory_space<semaphore_mem>>) src(%arg10 : memref<100x128xf32, #tpu.memory_space<vmem>>) dst(%dma_wait3A_355 : memref<2560x128xf32, #tpu.memory_space<vmem_shared>>)
        tpu.yield
      }) : () -> ()
      "tpu.region"() ({
        %run_scoped3A_343 = tpu.sem_alloc : memref<!tpu.dma_semaphore, #tpu.memory_space<semaphore_mem>>
        %dma_start3A_344 = arith.constant 0 : i32
        %dma_start3A_345 = tpu.memref_slice %arg8[%add3A_317, %dma_start3A_344] : memref<100x100xi32, #tpu.memory_space<vmem>> -> memref<1x100xi32, #tpu.memory_space<vmem>>
        %dma_start3A_346 = tpu.memref_squeeze %dma_start3A_345 : memref<1x100xi32, #tpu.memory_space<vmem>> -> memref<100xi32, #tpu.memory_space<vmem>>
        %dma_start3A_347 = arith.constant 0 : i32
        %dma_start3A_348 = arith.constant 0 : i32
        %dma_start3A_349 = tpu.memref_slice %arg15[%dma_start3A_347, %dma_start3A_348] : memref<2560x128xf32, #tpu.memory_space<vmem_shared>> -> memref<2560x128xf32, #tpu.memory_space<vmem_shared>>
        tpu.enqueue_indirect_dma source(%arg12 : memref<100x128xf32, #tpu.memory_space<vmem>>) target(%dma_start3A_349 : memref<2560x128xf32, #tpu.memory_space<vmem_shared>>) offsets(%dma_start3A_346 : memref<100xi32, #tpu.memory_space<vmem>>) semaphore(%run_scoped3A_343 : memref<!tpu.dma_semaphore, #tpu.memory_space<semaphore_mem>>) {add = true}
        %dma_wait3A_350 = arith.constant 0 : i32
        %dma_wait3A_351 = tpu.memref_slice %arg8[%add3A_317, %dma_wait3A_350] : memref<100x100xi32, #tpu.memory_space<vmem>> -> memref<1x100xi32, #tpu.memory_space<vmem>>
        %dma_wait3A_352 = tpu.memref_squeeze %dma_wait3A_351 : memref<1x100xi32, #tpu.memory_space<vmem>> -> memref<100xi32, #tpu.memory_space<vmem>>
        %dma_wait3A_353 = arith.constant 0 : i32
        %dma_wait3A_354 = arith.constant 0 : i32
        %dma_wait3A_355 = tpu.memref_slice %arg15[%dma_wait3A_353, %dma_wait3A_354] : memref<2560x128xf32, #tpu.memory_space<vmem_shared>> -> memref<2560x128xf32, #tpu.memory_space<vmem_shared>>
        tpu.wait_indirect_dma semaphore(%run_scoped3A_343 : memref<!tpu.dma_semaphore, #tpu.memory_space<semaphore_mem>>) src(%arg12 : memref<100x128xf32, #tpu.memory_space<vmem>>) dst(%dma_wait3A_355 : memref<2560x128xf32, #tpu.memory_space<vmem_shared>>)
        tpu.yield
      }) : () -> ()
      %add3A_318 = arith.constant 1 : i32
      %add3A_319 = arith.addi %mul3A_206, %add3A_318 : i32
      %get3A_320 = arith.index_cast %add3A_319 : i32 to index
      %get3A_321 = arith.constant 0 : index
      %get3A_322 = tpu.vector_load %arg8[%get3A_320, %get3A_321] {strides = array<i32>} : memref<100x100xi32, #tpu.memory_space<vmem>>, vector<16xi32>,
      tpu.vector_store_idx %arg13[%get3A_322], %broadcast_in_dim3A_6 {add = true} : memref<2560xf32, #tpu.memory_space<vmem>>[vector<16xi32>], vector<16xf32>,
      %get3A_323 = arith.index_cast %add3A_319 : i32 to index
      %get3A_324 = arith.constant 16 : index
      %get3A_325 = tpu.vector_load %arg8[%get3A_323, %get3A_324] {strides = array<i32>} : memref<100x100xi32, #tpu.memory_space<vmem>>, vector<16xi32>,
      tpu.vector_store_idx %arg13[%get3A_325], %broadcast_in_dim3A_6 {add = true} : memref<2560xf32, #tpu.memory_space<vmem>>[vector<16xi32>], vector<16xf32>,
      %get3A_326 = arith.index_cast %add3A_319 : i32 to index
      %get3A_327 = arith.constant 32 : index
      %get3A_328 = tpu.vector_load %arg8[%get3A_326, %get3A_327] {strides = array<i32>} : memref<100x100xi32, #tpu.memory_space<vmem>>, vector<16xi32>,
      tpu.vector_store_idx %arg13[%get3A_328], %broadcast_in_dim3A_6 {add = true} : memref<2560xf32, #tpu.memory_space<vmem>>[vector<16xi32>], vector<16xf32>,
      %get3A_329 = arith.index_cast %add3A_319 : i32 to index
      %get3A_330 = arith.constant 48 : index
      %get3A_331 = tpu.vector_load %arg8[%get3A_329, %get3A_330] {strides = array<i32>} : memref<100x100xi32, #tpu.memory_space<vmem>>, vector<16xi32>,
      tpu.vector_store_idx %arg13[%get3A_331], %broadcast_in_dim3A_6 {add = true} : memref<2560xf32, #tpu.memory_space<vmem>>[vector<16xi32>], vector<16xf32>,
      %get3A_332 = arith.index_cast %add3A_319 : i32 to index
      %get3A_333 = arith.constant 64 : index
      %get3A_334 = tpu.vector_load %arg8[%get3A_332, %get3A_333] {strides = array<i32>} : memref<100x100xi32, #tpu.memory_space<vmem>>, vector<16xi32>,
      tpu.vector_store_idx %arg13[%get3A_334], %broadcast_in_dim3A_6 {add = true} : memref<2560xf32, #tpu.memory_space<vmem>>[vector<16xi32>], vector<16xf32>,
      %get3A_335 = arith.index_cast %add3A_319 : i32 to index
      %get3A_336 = arith.constant 80 : index
      %get3A_337 = tpu.vector_load %arg8[%get3A_335, %get3A_336] {strides = array<i32>} : memref<100x100xi32, #tpu.memory_space<vmem>>, vector<16xi32>,
      tpu.vector_store_idx %arg13[%get3A_337], %broadcast_in_dim3A_6 {add = true} : memref<2560xf32, #tpu.memory_space<vmem>>[vector<16xi32>], vector<16xf32>,
      %broadcast_in_dim3A_338 = vector.broadcast %add3A_319 : i32 to vector<16xi32>
      %add3A_339 = arith.constant 96 : i32
      %add3A_340 = vector.broadcast %add3A_339 : i32 to vector<16xi32>
      %add3A_341 = arith.addi %add3A_340, %iota3A : vector<16xi32>
      %gather3A_342 = tpu.vector_load_idx %arg8[%broadcast_in_dim3A_338, %add3A_341] masked %lt3A_20 : memref<100x100xi32, #tpu.memory_space<vmem>>[vector<16xi32>, vector<16xi32>], vector<16xi32>, vector<16xi1>
      tpu.vector_store_idx %arg13[%gather3A_342], %broadcast_in_dim3A_6 masked %lt3A_20 {add = true} : memref<2560xf32, #tpu.memory_space<vmem>>[vector<16xi32>], vector<16xf32>, vector<16xi1>
    }
    %scan3A_51 = arith.constant 49 : i32
    %dma_start3A_52 = arith.constant 0 : i32
    %dma_start3A_53 = arith.constant 99 : i32
    %dma_start3A_54 = arith.constant 0 : i32
    %dma_start3A_55 = tpu.memref_slice %arg7[%dma_start3A_53, %dma_start3A_54] : memref<100x100xi32, #tpu.memory_space<vmem>> -> memref<1x100xi32, #tpu.memory_space<vmem>>
    %dma_start3A_56 = tpu.memref_squeeze %dma_start3A_55 : memref<1x100xi32, #tpu.memory_space<vmem>> -> memref<100xi32, #tpu.memory_space<vmem>>
    %dma_start3A_57 = arith.constant 0 : i32
    %dma_start3A_58 = arith.constant 0 : i32
    %dma_start3A_59 = tpu.memref_slice %arg2[%dma_start3A_52, %dma_start3A_57, %dma_start3A_58] : memref<2x10000x128xf32, #tpu.memory_space<hbm>> -> memref<1x10000x128xf32, #tpu.memory_space<hbm>>
    %dma_start3A_60 = tpu.memref_squeeze %dma_start3A_59 : memref<1x10000x128xf32, #tpu.memory_space<hbm>> -> memref<10000x128xf32, #tpu.memory_space<hbm>>
    %dma_start3A_61 = arith.constant 0 : i32
    %dma_start3A_62 = arith.constant 0 : i32
    %dma_start3A_63 = tpu.memref_slice %dma_start3A_60[%dma_start3A_61, %dma_start3A_62] : memref<10000x128xf32, #tpu.memory_space<hbm>> -> memref<10000x128xf32, #tpu.memory_space<hbm>>
    tpu.enqueue_indirect_dma source(%dma_start3A_63 : memref<10000x128xf32, #tpu.memory_space<hbm>>) target(%arg10 : memref<100x128xf32, #tpu.memory_space<vmem>>) offsets(%dma_start3A_56 : memref<100xi32, #tpu.memory_space<vmem>>) semaphore(%arg17 : memref<!tpu.dma_semaphore, #tpu.memory_space<semaphore_mem>>)
    %dma_start3A_64 = arith.constant 1 : i32
    %dma_start3A_65 = arith.constant 99 : i32
    %dma_start3A_66 = arith.constant 0 : i32
    %dma_start3A_67 = tpu.memref_slice %arg7[%dma_start3A_65, %dma_start3A_66] : memref<100x100xi32, #tpu.memory_space<vmem>> -> memref<1x100xi32, #tpu.memory_space<vmem>>
    %dma_start3A_68 = tpu.memref_squeeze %dma_start3A_67 : memref<1x100xi32, #tpu.memory_space<vmem>> -> memref<100xi32, #tpu.memory_space<vmem>>
    %dma_start3A_69 = arith.constant 0 : i32
    %dma_start3A_70 = arith.constant 0 : i32
    %dma_start3A_71 = tpu.memref_slice %arg2[%dma_start3A_64, %dma_start3A_69, %dma_start3A_70] : memref<2x10000x128xf32, #tpu.memory_space<hbm>> -> memref<1x10000x128xf32, #tpu.memory_space<hbm>>
    %dma_start3A_72 = tpu.memref_squeeze %dma_start3A_71 : memref<1x10000x128xf32, #tpu.memory_space<hbm>> -> memref<10000x128xf32, #tpu.memory_space<hbm>>
    %dma_start3A_73 = arith.constant 0 : i32
    %dma_start3A_74 = arith.constant 0 : i32
    %dma_start3A_75 = tpu.memref_slice %dma_start3A_72[%dma_start3A_73, %dma_start3A_74] : memref<10000x128xf32, #tpu.memory_space<hbm>> -> memref<10000x128xf32, #tpu.memory_space<hbm>>
    tpu.enqueue_indirect_dma source(%dma_start3A_75 : memref<10000x128xf32, #tpu.memory_space<hbm>>) target(%arg12 : memref<100x128xf32, #tpu.memory_space<vmem>>) offsets(%dma_start3A_68 : memref<100xi32, #tpu.memory_space<vmem>>) semaphore(%arg17 : memref<!tpu.dma_semaphore, #tpu.memory_space<semaphore_mem>>)
    %dma_wait3A = arith.constant 0 : i32
    %dma_wait3A_76 = arith.constant 98 : i32
    %dma_wait3A_77 = arith.constant 0 : i32
    %dma_wait3A_78 = tpu.memref_slice %arg7[%dma_wait3A_76, %dma_wait3A_77] : memref<100x100xi32, #tpu.memory_space<vmem>> -> memref<1x100xi32, #tpu.memory_space<vmem>>
    %dma_wait3A_79 = tpu.memref_squeeze %dma_wait3A_78 : memref<1x100xi32, #tpu.memory_space<vmem>> -> memref<100xi32, #tpu.memory_space<vmem>>
    %dma_wait3A_80 = arith.constant 0 : i32
    %dma_wait3A_81 = arith.constant 0 : i32
    %dma_wait3A_82 = tpu.memref_slice %arg2[%dma_wait3A, %dma_wait3A_80, %dma_wait3A_81] : memref<2x10000x128xf32, #tpu.memory_space<hbm>> -> memref<1x10000x128xf32, #tpu.memory_space<hbm>>
    %dma_wait3A_83 = tpu.memref_squeeze %dma_wait3A_82 : memref<1x10000x128xf32, #tpu.memory_space<hbm>> -> memref<10000x128xf32, #tpu.memory_space<hbm>>
    %dma_wait3A_84 = arith.constant 0 : i32
    %dma_wait3A_85 = arith.constant 0 : i32
    %dma_wait3A_86 = tpu.memref_slice %dma_wait3A_83[%dma_wait3A_84, %dma_wait3A_85] : memref<10000x128xf32, #tpu.memory_space<hbm>> -> memref<10000x128xf32, #tpu.memory_space<hbm>>
    tpu.wait_indirect_dma semaphore(%arg16 : memref<!tpu.dma_semaphore, #tpu.memory_space<semaphore_mem>>) src(%dma_wait3A_86 : memref<10000x128xf32, #tpu.memory_space<hbm>>) dst(%arg9 : memref<100x128xf32, #tpu.memory_space<vmem>>)
    %dma_wait3A_87 = arith.constant 1 : i32
    %dma_wait3A_88 = arith.constant 98 : i32
    %dma_wait3A_89 = arith.constant 0 : i32
    %dma_wait3A_90 = tpu.memref_slice %arg7[%dma_wait3A_88, %dma_wait3A_89] : memref<100x100xi32, #tpu.memory_space<vmem>> -> memref<1x100xi32, #tpu.memory_space<vmem>>
    %dma_wait3A_91 = tpu.memref_squeeze %dma_wait3A_90 : memref<1x100xi32, #tpu.memory_space<vmem>> -> memref<100xi32, #tpu.memory_space<vmem>>
    %dma_wait3A_92 = arith.constant 0 : i32
    %dma_wait3A_93 = arith.constant 0 : i32
    %dma_wait3A_94 = tpu.memref_slice %arg2[%dma_wait3A_87, %dma_wait3A_92, %dma_wait3A_93] : memref<2x10000x128xf32, #tpu.memory_space<hbm>> -> memref<1x10000x128xf32, #tpu.memory_space<hbm>>
    %dma_wait3A_95 = tpu.memref_squeeze %dma_wait3A_94 : memref<1x10000x128xf32, #tpu.memory_space<hbm>> -> memref<10000x128xf32, #tpu.memory_space<hbm>>
    %dma_wait3A_96 = arith.constant 0 : i32
    %dma_wait3A_97 = arith.constant 0 : i32
    %dma_wait3A_98 = tpu.memref_slice %dma_wait3A_95[%dma_wait3A_96, %dma_wait3A_97] : memref<10000x128xf32, #tpu.memory_space<hbm>> -> memref<10000x128xf32, #tpu.memory_space<hbm>>
    tpu.wait_indirect_dma semaphore(%arg16 : memref<!tpu.dma_semaphore, #tpu.memory_space<semaphore_mem>>) src(%dma_wait3A_98 : memref<10000x128xf32, #tpu.memory_space<hbm>>) dst(%arg11 : memref<100x128xf32, #tpu.memory_space<vmem>>)
    %run_scoped3A = arith.constant 98 : i32
    "tpu.region"() ({
      %run_scoped3A_204 = tpu.sem_alloc : memref<!tpu.dma_semaphore, #tpu.memory_space<semaphore_mem>>
      %dma_start3A_205 = arith.constant 0 : i32
      %dma_start3A_206 = tpu.memref_slice %arg8[%run_scoped3A, %dma_start3A_205] : memref<100x100xi32, #tpu.memory_space<vmem>> -> memref<1x100xi32, #tpu.memory_space<vmem>>
      %dma_start3A_207 = tpu.memref_squeeze %dma_start3A_206 : memref<1x100xi32, #tpu.memory_space<vmem>> -> memref<100xi32, #tpu.memory_space<vmem>>
      %dma_start3A_208 = arith.constant 0 : i32
      %dma_start3A_209 = arith.constant 0 : i32
      %dma_start3A_210 = tpu.memref_slice %arg14[%dma_start3A_208, %dma_start3A_209] : memref<2560x128xf32, #tpu.memory_space<vmem_shared>> -> memref<2560x128xf32, #tpu.memory_space<vmem_shared>>
      tpu.enqueue_indirect_dma source(%arg9 : memref<100x128xf32, #tpu.memory_space<vmem>>) target(%dma_start3A_210 : memref<2560x128xf32, #tpu.memory_space<vmem_shared>>) offsets(%dma_start3A_207 : memref<100xi32, #tpu.memory_space<vmem>>) semaphore(%run_scoped3A_204 : memref<!tpu.dma_semaphore, #tpu.memory_space<semaphore_mem>>) {add = true}
      %dma_wait3A_211 = arith.constant 0 : i32
      %dma_wait3A_212 = tpu.memref_slice %arg8[%run_scoped3A, %dma_wait3A_211] : memref<100x100xi32, #tpu.memory_space<vmem>> -> memref<1x100xi32, #tpu.memory_space<vmem>>
      %dma_wait3A_213 = tpu.memref_squeeze %dma_wait3A_212 : memref<1x100xi32, #tpu.memory_space<vmem>> -> memref<100xi32, #tpu.memory_space<vmem>>
      %dma_wait3A_214 = arith.constant 0 : i32
      %dma_wait3A_215 = arith.constant 0 : i32
      %dma_wait3A_216 = tpu.memref_slice %arg14[%dma_wait3A_214, %dma_wait3A_215] : memref<2560x128xf32, #tpu.memory_space<vmem_shared>> -> memref<2560x128xf32, #tpu.memory_space<vmem_shared>>
      tpu.wait_indirect_dma semaphore(%run_scoped3A_204 : memref<!tpu.dma_semaphore, #tpu.memory_space<semaphore_mem>>) src(%arg9 : memref<100x128xf32, #tpu.memory_space<vmem>>) dst(%dma_wait3A_216 : memref<2560x128xf32, #tpu.memory_space<vmem_shared>>)
      tpu.yield
    }) : () -> ()
    %run_scoped3A_99 = arith.constant 98 : i32
    "tpu.region"() ({
      %run_scoped3A_204 = tpu.sem_alloc : memref<!tpu.dma_semaphore, #tpu.memory_space<semaphore_mem>>
      %dma_start3A_205 = arith.constant 0 : i32
      %dma_start3A_206 = tpu.memref_slice %arg8[%run_scoped3A_99, %dma_start3A_205] : memref<100x100xi32, #tpu.memory_space<vmem>> -> memref<1x100xi32, #tpu.memory_space<vmem>>
      %dma_start3A_207 = tpu.memref_squeeze %dma_start3A_206 : memref<1x100xi32, #tpu.memory_space<vmem>> -> memref<100xi32, #tpu.memory_space<vmem>>
      %dma_start3A_208 = arith.constant 0 : i32
      %dma_start3A_209 = arith.constant 0 : i32
      %dma_start3A_210 = tpu.memref_slice %arg15[%dma_start3A_208, %dma_start3A_209] : memref<2560x128xf32, #tpu.memory_space<vmem_shared>> -> memref<2560x128xf32, #tpu.memory_space<vmem_shared>>
      tpu.enqueue_indirect_dma source(%arg11 : memref<100x128xf32, #tpu.memory_space<vmem>>) target(%dma_start3A_210 : memref<2560x128xf32, #tpu.memory_space<vmem_shared>>) offsets(%dma_start3A_207 : memref<100xi32, #tpu.memory_space<vmem>>) semaphore(%run_scoped3A_204 : memref<!tpu.dma_semaphore, #tpu.memory_space<semaphore_mem>>) {add = true}
      %dma_wait3A_211 = arith.constant 0 : i32
      %dma_wait3A_212 = tpu.memref_slice %arg8[%run_scoped3A_99, %dma_wait3A_211] : memref<100x100xi32, #tpu.memory_space<vmem>> -> memref<1x100xi32, #tpu.memory_space<vmem>>
      %dma_wait3A_213 = tpu.memref_squeeze %dma_wait3A_212 : memref<1x100xi32, #tpu.memory_space<vmem>> -> memref<100xi32, #tpu.memory_space<vmem>>
      %dma_wait3A_214 = arith.constant 0 : i32
      %dma_wait3A_215 = arith.constant 0 : i32
      %dma_wait3A_216 = tpu.memref_slice %arg15[%dma_wait3A_214, %dma_wait3A_215] : memref<2560x128xf32, #tpu.memory_space<vmem_shared>> -> memref<2560x128xf32, #tpu.memory_space<vmem_shared>>
      tpu.wait_indirect_dma semaphore(%run_scoped3A_204 : memref<!tpu.dma_semaphore, #tpu.memory_space<semaphore_mem>>) src(%arg11 : memref<100x128xf32, #tpu.memory_space<vmem>>) dst(%dma_wait3A_216 : memref<2560x128xf32, #tpu.memory_space<vmem_shared>>)
      tpu.yield
    }) : () -> ()
    %get3A = arith.constant 98 : i32
    %get3A_100 = arith.index_cast %get3A : i32 to index
    %get3A_101 = arith.constant 0 : index
    %get3A_102 = tpu.vector_load %arg8[%get3A_100, %get3A_101] {strides = array<i32>} : memref<100x100xi32, #tpu.memory_space<vmem>>, vector<16xi32>,
    tpu.vector_store_idx %arg13[%get3A_102], %broadcast_in_dim3A_6 {add = true} : memref<2560xf32, #tpu.memory_space<vmem>>[vector<16xi32>], vector<16xf32>,
    %get3A_103 = arith.constant 98 : i32
    %get3A_104 = arith.index_cast %get3A_103 : i32 to index
    %get3A_105 = arith.constant 16 : index
    %get3A_106 = tpu.vector_load %arg8[%get3A_104, %get3A_105] {strides = array<i32>} : memref<100x100xi32, #tpu.memory_space<vmem>>, vector<16xi32>,
    tpu.vector_store_idx %arg13[%get3A_106], %broadcast_in_dim3A_6 {add = true} : memref<2560xf32, #tpu.memory_space<vmem>>[vector<16xi32>], vector<16xf32>,
    %get3A_107 = arith.constant 98 : i32
    %get3A_108 = arith.index_cast %get3A_107 : i32 to index
    %get3A_109 = arith.constant 32 : index
    %get3A_110 = tpu.vector_load %arg8[%get3A_108, %get3A_109] {strides = array<i32>} : memref<100x100xi32, #tpu.memory_space<vmem>>, vector<16xi32>,
    tpu.vector_store_idx %arg13[%get3A_110], %broadcast_in_dim3A_6 {add = true} : memref<2560xf32, #tpu.memory_space<vmem>>[vector<16xi32>], vector<16xf32>,
    %get3A_111 = arith.constant 98 : i32
    %get3A_112 = arith.index_cast %get3A_111 : i32 to index
    %get3A_113 = arith.constant 48 : index
    %get3A_114 = tpu.vector_load %arg8[%get3A_112, %get3A_113] {strides = array<i32>} : memref<100x100xi32, #tpu.memory_space<vmem>>, vector<16xi32>,
    tpu.vector_store_idx %arg13[%get3A_114], %broadcast_in_dim3A_6 {add = true} : memref<2560xf32, #tpu.memory_space<vmem>>[vector<16xi32>], vector<16xf32>,
    %get3A_115 = arith.constant 98 : i32
    %get3A_116 = arith.index_cast %get3A_115 : i32 to index
    %get3A_117 = arith.constant 64 : index
    %get3A_118 = tpu.vector_load %arg8[%get3A_116, %get3A_117] {strides = array<i32>} : memref<100x100xi32, #tpu.memory_space<vmem>>, vector<16xi32>,
    tpu.vector_store_idx %arg13[%get3A_118], %broadcast_in_dim3A_6 {add = true} : memref<2560xf32, #tpu.memory_space<vmem>>[vector<16xi32>], vector<16xf32>,
    %get3A_119 = arith.constant 98 : i32
    %get3A_120 = arith.index_cast %get3A_119 : i32 to index
    %get3A_121 = arith.constant 80 : index
    %get3A_122 = tpu.vector_load %arg8[%get3A_120, %get3A_121] {strides = array<i32>} : memref<100x100xi32, #tpu.memory_space<vmem>>, vector<16xi32>,
    tpu.vector_store_idx %arg13[%get3A_122], %broadcast_in_dim3A_6 {add = true} : memref<2560xf32, #tpu.memory_space<vmem>>[vector<16xi32>], vector<16xf32>,
    %broadcast_in_dim3A_123 = arith.constant 98 : i32
    %broadcast_in_dim3A_124 = vector.broadcast %broadcast_in_dim3A_123 : i32 to vector<16xi32>
    %add3A_125 = arith.constant 96 : i32
    %add3A_126 = vector.broadcast %add3A_125 : i32 to vector<16xi32>
    %add3A_127 = arith.addi %add3A_126, %iota3A : vector<16xi32>
    %gather3A = tpu.vector_load_idx %arg8[%broadcast_in_dim3A_124, %add3A_127] masked %lt3A_20 : memref<100x100xi32, #tpu.memory_space<vmem>>[vector<16xi32>, vector<16xi32>], vector<16xi32>, vector<16xi1>
    tpu.vector_store_idx %arg13[%gather3A], %broadcast_in_dim3A_6 masked %lt3A_20 {add = true} : memref<2560xf32, #tpu.memory_space<vmem>>[vector<16xi32>], vector<16xf32>, vector<16xi1>
    %dma_wait3A_128 = arith.constant 0 : i32
    %dma_wait3A_129 = arith.constant 99 : i32
    %dma_wait3A_130 = arith.constant 0 : i32
    %dma_wait3A_131 = tpu.memref_slice %arg7[%dma_wait3A_129, %dma_wait3A_130] : memref<100x100xi32, #tpu.memory_space<vmem>> -> memref<1x100xi32, #tpu.memory_space<vmem>>
    %dma_wait3A_132 = tpu.memref_squeeze %dma_wait3A_131 : memref<1x100xi32, #tpu.memory_space<vmem>> -> memref<100xi32, #tpu.memory_space<vmem>>
    %dma_wait3A_133 = arith.constant 0 : i32
    %dma_wait3A_134 = arith.constant 0 : i32
    %dma_wait3A_135 = tpu.memref_slice %arg2[%dma_wait3A_128, %dma_wait3A_133, %dma_wait3A_134] : memref<2x10000x128xf32, #tpu.memory_space<hbm>> -> memref<1x10000x128xf32, #tpu.memory_space<hbm>>
    %dma_wait3A_136 = tpu.memref_squeeze %dma_wait3A_135 : memref<1x10000x128xf32, #tpu.memory_space<hbm>> -> memref<10000x128xf32, #tpu.memory_space<hbm>>
    %dma_wait3A_137 = arith.constant 0 : i32
    %dma_wait3A_138 = arith.constant 0 : i32
    %dma_wait3A_139 = tpu.memref_slice %dma_wait3A_136[%dma_wait3A_137, %dma_wait3A_138] : memref<10000x128xf32, #tpu.memory_space<hbm>> -> memref<10000x128xf32, #tpu.memory_space<hbm>>
    tpu.wait_indirect_dma semaphore(%arg17 : memref<!tpu.dma_semaphore, #tpu.memory_space<semaphore_mem>>) src(%dma_wait3A_139 : memref<10000x128xf32, #tpu.memory_space<hbm>>) dst(%arg10 : memref<100x128xf32, #tpu.memory_space<vmem>>)
    %dma_wait3A_140 = arith.constant 1 : i32
    %dma_wait3A_141 = arith.constant 99 : i32
    %dma_wait3A_142 = arith.constant 0 : i32
    %dma_wait3A_143 = tpu.memref_slice %arg7[%dma_wait3A_141, %dma_wait3A_142] : memref<100x100xi32, #tpu.memory_space<vmem>> -> memref<1x100xi32, #tpu.memory_space<vmem>>
    %dma_wait3A_144 = tpu.memref_squeeze %dma_wait3A_143 : memref<1x100xi32, #tpu.memory_space<vmem>> -> memref<100xi32, #tpu.memory_space<vmem>>
    %dma_wait3A_145 = arith.constant 0 : i32
    %dma_wait3A_146 = arith.constant 0 : i32
    %dma_wait3A_147 = tpu.memref_slice %arg2[%dma_wait3A_140, %dma_wait3A_145, %dma_wait3A_146] : memref<2x10000x128xf32, #tpu.memory_space<hbm>> -> memref<1x10000x128xf32, #tpu.memory_space<hbm>>
    %dma_wait3A_148 = tpu.memref_squeeze %dma_wait3A_147 : memref<1x10000x128xf32, #tpu.memory_space<hbm>> -> memref<10000x128xf32, #tpu.memory_space<hbm>>
    %dma_wait3A_149 = arith.constant 0 : i32
    %dma_wait3A_150 = arith.constant 0 : i32
    %dma_wait3A_151 = tpu.memref_slice %dma_wait3A_148[%dma_wait3A_149, %dma_wait3A_150] : memref<10000x128xf32, #tpu.memory_space<hbm>> -> memref<10000x128xf32, #tpu.memory_space<hbm>>
    tpu.wait_indirect_dma semaphore(%arg17 : memref<!tpu.dma_semaphore, #tpu.memory_space<semaphore_mem>>) src(%dma_wait3A_151 : memref<10000x128xf32, #tpu.memory_space<hbm>>) dst(%arg12 : memref<100x128xf32, #tpu.memory_space<vmem>>)
    %run_scoped3A_152 = arith.constant 99 : i32
    "tpu.region"() ({
      %run_scoped3A_204 = tpu.sem_alloc : memref<!tpu.dma_semaphore, #tpu.memory_space<semaphore_mem>>
      %dma_start3A_205 = arith.constant 0 : i32
      %dma_start3A_206 = tpu.memref_slice %arg8[%run_scoped3A_152, %dma_start3A_205] : memref<100x100xi32, #tpu.memory_space<vmem>> -> memref<1x100xi32, #tpu.memory_space<vmem>>
      %dma_start3A_207 = tpu.memref_squeeze %dma_start3A_206 : memref<1x100xi32, #tpu.memory_space<vmem>> -> memref<100xi32, #tpu.memory_space<vmem>>
      %dma_start3A_208 = arith.constant 0 : i32
      %dma_start3A_209 = arith.constant 0 : i32
      %dma_start3A_210 = tpu.memref_slice %arg14[%dma_start3A_208, %dma_start3A_209] : memref<2560x128xf32, #tpu.memory_space<vmem_shared>> -> memref<2560x128xf32, #tpu.memory_space<vmem_shared>>
      tpu.enqueue_indirect_dma source(%arg10 : memref<100x128xf32, #tpu.memory_space<vmem>>) target(%dma_start3A_210 : memref<2560x128xf32, #tpu.memory_space<vmem_shared>>) offsets(%dma_start3A_207 : memref<100xi32, #tpu.memory_space<vmem>>) semaphore(%run_scoped3A_204 : memref<!tpu.dma_semaphore, #tpu.memory_space<semaphore_mem>>) {add = true}
      %dma_wait3A_211 = arith.constant 0 : i32
      %dma_wait3A_212 = tpu.memref_slice %arg8[%run_scoped3A_152, %dma_wait3A_211] : memref<100x100xi32, #tpu.memory_space<vmem>> -> memref<1x100xi32, #tpu.memory_space<vmem>>
      %dma_wait3A_213 = tpu.memref_squeeze %dma_wait3A_212 : memref<1x100xi32, #tpu.memory_space<vmem>> -> memref<100xi32, #tpu.memory_space<vmem>>
      %dma_wait3A_214 = arith.constant 0 : i32
      %dma_wait3A_215 = arith.constant 0 : i32
      %dma_wait3A_216 = tpu.memref_slice %arg14[%dma_wait3A_214, %dma_wait3A_215] : memref<2560x128xf32, #tpu.memory_space<vmem_shared>> -> memref<2560x128xf32, #tpu.memory_space<vmem_shared>>
      tpu.wait_indirect_dma semaphore(%run_scoped3A_204 : memref<!tpu.dma_semaphore, #tpu.memory_space<semaphore_mem>>) src(%arg10 : memref<100x128xf32, #tpu.memory_space<vmem>>) dst(%dma_wait3A_216 : memref<2560x128xf32, #tpu.memory_space<vmem_shared>>)
      tpu.yield
    }) : () -> ()
    %run_scoped3A_153 = arith.constant 99 : i32
    "tpu.region"() ({
      %run_scoped3A_204 = tpu.sem_alloc : memref<!tpu.dma_semaphore, #tpu.memory_space<semaphore_mem>>
      %dma_start3A_205 = arith.constant 0 : i32
      %dma_start3A_206 = tpu.memref_slice %arg8[%run_scoped3A_153, %dma_start3A_205] : memref<100x100xi32, #tpu.memory_space<vmem>> -> memref<1x100xi32, #tpu.memory_space<vmem>>
      %dma_start3A_207 = tpu.memref_squeeze %dma_start3A_206 : memref<1x100xi32, #tpu.memory_space<vmem>> -> memref<100xi32, #tpu.memory_space<vmem>>
      %dma_start3A_208 = arith.constant 0 : i32
      %dma_start3A_209 = arith.constant 0 : i32
      %dma_start3A_210 = tpu.memref_slice %arg15[%dma_start3A_208, %dma_start3A_209] : memref<2560x128xf32, #tpu.memory_space<vmem_shared>> -> memref<2560x128xf32, #tpu.memory_space<vmem_shared>>
      tpu.enqueue_indirect_dma source(%arg12 : memref<100x128xf32, #tpu.memory_space<vmem>>) target(%dma_start3A_210 : memref<2560x128xf32, #tpu.memory_space<vmem_shared>>) offsets(%dma_start3A_207 : memref<100xi32, #tpu.memory_space<vmem>>) semaphore(%run_scoped3A_204 : memref<!tpu.dma_semaphore, #tpu.memory_space<semaphore_mem>>) {add = true}
      %dma_wait3A_211 = arith.constant 0 : i32
      %dma_wait3A_212 = tpu.memref_slice %arg8[%run_scoped3A_153, %dma_wait3A_211] : memref<100x100xi32, #tpu.memory_space<vmem>> -> memref<1x100xi32, #tpu.memory_space<vmem>>
      %dma_wait3A_213 = tpu.memref_squeeze %dma_wait3A_212 : memref<1x100xi32, #tpu.memory_space<vmem>> -> memref<100xi32, #tpu.memory_space<vmem>>
      %dma_wait3A_214 = arith.constant 0 : i32
      %dma_wait3A_215 = arith.constant 0 : i32
      %dma_wait3A_216 = tpu.memref_slice %arg15[%dma_wait3A_214, %dma_wait3A_215] : memref<2560x128xf32, #tpu.memory_space<vmem_shared>> -> memref<2560x128xf32, #tpu.memory_space<vmem_shared>>
      tpu.wait_indirect_dma semaphore(%run_scoped3A_204 : memref<!tpu.dma_semaphore, #tpu.memory_space<semaphore_mem>>) src(%arg12 : memref<100x128xf32, #tpu.memory_space<vmem>>) dst(%dma_wait3A_216 : memref<2560x128xf32, #tpu.memory_space<vmem_shared>>)
      tpu.yield
    }) : () -> ()
    %get3A_154 = arith.constant 99 : i32
    %get3A_155 = arith.index_cast %get3A_154 : i32 to index
    %get3A_156 = arith.constant 0 : index
    %get3A_157 = tpu.vector_load %arg8[%get3A_155, %get3A_156] {strides = array<i32>} : memref<100x100xi32, #tpu.memory_space<vmem>>, vector<16xi32>,
    tpu.vector_store_idx %arg13[%get3A_157], %broadcast_in_dim3A_6 {add = true} : memref<2560xf32, #tpu.memory_space<vmem>>[vector<16xi32>], vector<16xf32>,
    %get3A_158 = arith.constant 99 : i32
    %get3A_159 = arith.index_cast %get3A_158 : i32 to index
    %get3A_160 = arith.constant 16 : index
    %get3A_161 = tpu.vector_load %arg8[%get3A_159, %get3A_160] {strides = array<i32>} : memref<100x100xi32, #tpu.memory_space<vmem>>, vector<16xi32>,
    tpu.vector_store_idx %arg13[%get3A_161], %broadcast_in_dim3A_6 {add = true} : memref<2560xf32, #tpu.memory_space<vmem>>[vector<16xi32>], vector<16xf32>,
    %get3A_162 = arith.constant 99 : i32
    %get3A_163 = arith.index_cast %get3A_162 : i32 to index
    %get3A_164 = arith.constant 32 : index
    %get3A_165 = tpu.vector_load %arg8[%get3A_163, %get3A_164] {strides = array<i32>} : memref<100x100xi32, #tpu.memory_space<vmem>>, vector<16xi32>,
    tpu.vector_store_idx %arg13[%get3A_165], %broadcast_in_dim3A_6 {add = true} : memref<2560xf32, #tpu.memory_space<vmem>>[vector<16xi32>], vector<16xf32>,
    %get3A_166 = arith.constant 99 : i32
    %get3A_167 = arith.index_cast %get3A_166 : i32 to index
    %get3A_168 = arith.constant 48 : index
    %get3A_169 = tpu.vector_load %arg8[%get3A_167, %get3A_168] {strides = array<i32>} : memref<100x100xi32, #tpu.memory_space<vmem>>, vector<16xi32>,
    tpu.vector_store_idx %arg13[%get3A_169], %broadcast_in_dim3A_6 {add = true} : memref<2560xf32, #tpu.memory_space<vmem>>[vector<16xi32>], vector<16xf32>,
    %get3A_170 = arith.constant 99 : i32
    %get3A_171 = arith.index_cast %get3A_170 : i32 to index
    %get3A_172 = arith.constant 64 : index
    %get3A_173 = tpu.vector_load %arg8[%get3A_171, %get3A_172] {strides = array<i32>} : memref<100x100xi32, #tpu.memory_space<vmem>>, vector<16xi32>,
    tpu.vector_store_idx %arg13[%get3A_173], %broadcast_in_dim3A_6 {add = true} : memref<2560xf32, #tpu.memory_space<vmem>>[vector<16xi32>], vector<16xf32>,
    %get3A_174 = arith.constant 99 : i32
    %get3A_175 = arith.index_cast %get3A_174 : i32 to index
    %get3A_176 = arith.constant 80 : index
    %get3A_177 = tpu.vector_load %arg8[%get3A_175, %get3A_176] {strides = array<i32>} : memref<100x100xi32, #tpu.memory_space<vmem>>, vector<16xi32>,
    tpu.vector_store_idx %arg13[%get3A_177], %broadcast_in_dim3A_6 {add = true} : memref<2560xf32, #tpu.memory_space<vmem>>[vector<16xi32>], vector<16xf32>,
    %broadcast_in_dim3A_178 = arith.constant 99 : i32
    %broadcast_in_dim3A_179 = vector.broadcast %broadcast_in_dim3A_178 : i32 to vector<16xi32>
    %add3A_180 = arith.constant 96 : i32
    %add3A_181 = vector.broadcast %add3A_180 : i32 to vector<16xi32>
    %add3A_182 = arith.addi %add3A_181, %iota3A : vector<16xi32>
    %gather3A_183 = tpu.vector_load_idx %arg8[%broadcast_in_dim3A_179, %add3A_182] masked %lt3A_20 : memref<100x100xi32, #tpu.memory_space<vmem>>[vector<16xi32>, vector<16xi32>], vector<16xi32>, vector<16xi1>
    tpu.vector_store_idx %arg13[%gather3A_183], %broadcast_in_dim3A_6 masked %lt3A_20 {add = true} : memref<2560xf32, #tpu.memory_space<vmem>>[vector<16xi32>], vector<16xf32>, vector<16xi1>
    %scan3A_184 = arith.constant 0 : i32
    %scan3A_185 = arith.constant 0 : i32
    %scan3A_186 = arith.constant 160 : i32
    %scan3A_187 = arith.addi %scan3A_185, %scan3A_186 : i32
    %scan3A_188 = arith.constant 1 : i32
    scf.for %scan3A_204 = %scan3A_185 to %scan3A_187 step %scan3A_188  : i32 {
      %mul3A_205 = arith.constant 16 : i32
      %mul3A_206 = arith.muli %scan3A_204, %mul3A_205 : i32
      %get3A_207 = arith.index_cast %mul3A_206 : i32 to index
      %get3A_208 = tpu.vector_load %arg13[%get3A_207] {strides = array<i32>} : memref<2560xf32, #tpu.memory_space<vmem>>, vector<16xf32>,
      %max3A = arith.constant 0.000000e+00 : f32
      %max3A_209 = vector.broadcast %max3A : f32 to vector<16xf32>
      %max3A_210 = arith.maximumf %get3A_208, %max3A_209 : vector<16xf32>
      %mul3A_211 = arith.constant 16 : i32
      %mul3A_212 = arith.muli %scan3A_204, %mul3A_211 : i32
      %swap3A = arith.index_cast %mul3A_212 : i32 to index
      %swap3A_213 = tpu.vector_load %arg13[%swap3A] {strides = array<i32>} : memref<2560xf32, #tpu.memory_space<vmem>>, vector<16xf32>,
      tpu.vector_store %arg13[%swap3A], %max3A_210 {strides = array<i32>} : memref<2560xf32, #tpu.memory_space<vmem>>, vector<16xf32>,
    }
    %scan3A_189 = arith.constant 160 : i32
    %barrier3A_190 = arith.constant 0 : index
    tpu.barrier barrier_id(%barrier3A_190)
    %barrier3A_191 = arith.constant 0 : index
    tpu.barrier barrier_id(%barrier3A_191)
    "tpu.region"() ({
      %run_scoped3A_204 = tpu.sem_alloc : memref<!tpu.dma_semaphore, #tpu.memory_space<semaphore_mem>>
      %dma_start3A_205 = arith.constant 0 : i32
      %dma_start3A_206 = tpu.memref_slice %arg6[%arg0, %arg1, %dma_start3A_205] : memref<2x16x2560xf32, #tpu.memory_space<hbm>> -> memref<1x1x2560xf32, #tpu.memory_space<hbm>>
      %dma_start3A_207 = tpu.memref_squeeze %dma_start3A_206 : memref<1x1x2560xf32, #tpu.memory_space<hbm>> -> memref<2560xf32, #tpu.memory_space<hbm>>
      %dma_start3A_208 = arith.constant 0 : i32
      %dma_start3A_209 = tpu.memref_slice %arg6[%arg0, %arg1, %dma_start3A_208] : memref<2x16x2560xf32, #tpu.memory_space<hbm>> -> memref<1x1x2560xf32, #tpu.memory_space<hbm>>
      %dma_start3A_210 = tpu.memref_squeeze %dma_start3A_209 : memref<1x1x2560xf32, #tpu.memory_space<hbm>> -> memref<2560xf32, #tpu.memory_space<hbm>>
      tpu.enqueue_dma source(%arg13 : memref<2560xf32, #tpu.memory_space<vmem>>) target(%dma_start3A_210 : memref<2560xf32, #tpu.memory_space<hbm>>) target_semaphore(%run_scoped3A_204 : memref<!tpu.dma_semaphore, #tpu.memory_space<semaphore_mem>>)
      %dma_wait3A_211 = arith.constant 0 : i32
      %dma_wait3A_212 = tpu.memref_slice %arg6[%arg0, %arg1, %dma_wait3A_211] : memref<2x16x2560xf32, #tpu.memory_space<hbm>> -> memref<1x1x2560xf32, #tpu.memory_space<hbm>>
      %dma_wait3A_213 = tpu.memref_squeeze %dma_wait3A_212 : memref<1x1x2560xf32, #tpu.memory_space<hbm>> -> memref<2560xf32, #tpu.memory_space<hbm>>
      %dma_wait3A_214 = arith.constant 0 : i32
      %dma_wait3A_215 = tpu.memref_slice %arg6[%arg0, %arg1, %dma_wait3A_214] : memref<2x16x2560xf32, #tpu.memory_space<hbm>> -> memref<1x1x2560xf32, #tpu.memory_space<hbm>>
      %dma_wait3A_216 = tpu.memref_squeeze %dma_wait3A_215 : memref<1x1x2560xf32, #tpu.memory_space<hbm>> -> memref<2560xf32, #tpu.memory_space<hbm>>
      tpu.wait_dma2 semaphore(%run_scoped3A_204 : memref<!tpu.dma_semaphore, #tpu.memory_space<semaphore_mem>>) src(%arg13 : memref<2560xf32, #tpu.memory_space<vmem>>) dst(%dma_wait3A_216 : memref<2560xf32, #tpu.memory_space<hbm>>)
      tpu.yield
    }) : () -> ()
    "tpu.region"() ({
      %run_scoped3A_204 = tpu.sem_alloc : memref<!tpu.dma_semaphore, #tpu.memory_space<semaphore_mem>>
      %dma_start3A_205 = arith.constant 0 : i32
      %dma_start3A_206 = tpu.memref_slice %arg14[%mul3A_14, %dma_start3A_205] : memref<2560x128xf32, #tpu.memory_space<vmem_shared>> -> memref<100x128xf32, #tpu.memory_space<vmem_shared>>
      %dma_start3A_207 = arith.constant 0 : i32
      %dma_start3A_208 = tpu.memref_slice %arg14[%mul3A_14, %dma_start3A_207] : memref<2560x128xf32, #tpu.memory_space<vmem_shared>> -> memref<100x128xf32, #tpu.memory_space<vmem_shared>>
      tpu.enqueue_dma source(%dma_start3A_208 : memref<100x128xf32, #tpu.memory_space<vmem_shared>>) target(%arg9 : memref<100x128xf32, #tpu.memory_space<vmem>>) target_semaphore(%run_scoped3A_204 : memref<!tpu.dma_semaphore, #tpu.memory_space<semaphore_mem>>)
      %dma_wait3A_209 = arith.constant 0 : i32
      %dma_wait3A_210 = tpu.memref_slice %arg14[%mul3A_14, %dma_wait3A_209] : memref<2560x128xf32, #tpu.memory_space<vmem_shared>> -> memref<100x128xf32, #tpu.memory_space<vmem_shared>>
      %dma_wait3A_211 = arith.constant 0 : i32
      %dma_wait3A_212 = tpu.memref_slice %arg14[%mul3A_14, %dma_wait3A_211] : memref<2560x128xf32, #tpu.memory_space<vmem_shared>> -> memref<100x128xf32, #tpu.memory_space<vmem_shared>>
      tpu.wait_dma2 semaphore(%run_scoped3A_204 : memref<!tpu.dma_semaphore, #tpu.memory_space<semaphore_mem>>) src(%dma_wait3A_212 : memref<100x128xf32, #tpu.memory_space<vmem_shared>>) dst(%arg9 : memref<100x128xf32, #tpu.memory_space<vmem>>)
      tpu.yield
    }) : () -> ()
    %run_scoped3A_192 = arith.constant 0 : i32
    "tpu.region"() ({
      %run_scoped3A_204 = tpu.sem_alloc : memref<!tpu.dma_semaphore, #tpu.memory_space<semaphore_mem>>
      %dma_start3A_205 = arith.constant 0 : i32
      %dma_start3A_206 = tpu.memref_slice %arg5[%arg0, %run_scoped3A_192, %mul3A_14, %dma_start3A_205] : memref<2x2x2560x128xf32, #tpu.memory_space<hbm>> -> memref<1x1x100x128xf32, #tpu.memory_space<hbm>>
      %dma_start3A_207 = tpu.memref_squeeze %dma_start3A_206 : memref<1x1x100x128xf32, #tpu.memory_space<hbm>> -> memref<100x128xf32, #tpu.memory_space<hbm>>
      %dma_start3A_208 = arith.constant 0 : i32
      %dma_start3A_209 = tpu.memref_slice %arg5[%arg0, %run_scoped3A_192, %mul3A_14, %dma_start3A_208] : memref<2x2x2560x128xf32, #tpu.memory_space<hbm>> -> memref<1x1x100x128xf32, #tpu.memory_space<hbm>>
      %dma_start3A_210 = tpu.memref_squeeze %dma_start3A_209 : memref<1x1x100x128xf32, #tpu.memory_space<hbm>> -> memref<100x128xf32, #tpu.memory_space<hbm>>
      tpu.enqueue_dma source(%arg9 : memref<100x128xf32, #tpu.memory_space<vmem>>) target(%dma_start3A_210 : memref<100x128xf32, #tpu.memory_space<hbm>>) target_semaphore(%run_scoped3A_204 : memref<!tpu.dma_semaphore, #tpu.memory_space<semaphore_mem>>)
      %dma_wait3A_211 = arith.constant 0 : i32
      %dma_wait3A_212 = tpu.memref_slice %arg5[%arg0, %run_scoped3A_192, %mul3A_14, %dma_wait3A_211] : memref<2x2x2560x128xf32, #tpu.memory_space<hbm>> -> memref<1x1x100x128xf32, #tpu.memory_space<hbm>>
      %dma_wait3A_213 = tpu.memref_squeeze %dma_wait3A_212 : memref<1x1x100x128xf32, #tpu.memory_space<hbm>> -> memref<100x128xf32, #tpu.memory_space<hbm>>
      %dma_wait3A_214 = arith.constant 0 : i32
      %dma_wait3A_215 = tpu.memref_slice %arg5[%arg0, %run_scoped3A_192, %mul3A_14, %dma_wait3A_214] : memref<2x2x2560x128xf32, #tpu.memory_space<hbm>> -> memref<1x1x100x128xf32, #tpu.memory_space<hbm>>
      %dma_wait3A_216 = tpu.memref_squeeze %dma_wait3A_215 : memref<1x1x100x128xf32, #tpu.memory_space<hbm>> -> memref<100x128xf32, #tpu.memory_space<hbm>>
      tpu.wait_dma2 semaphore(%run_scoped3A_204 : memref<!tpu.dma_semaphore, #tpu.memory_space<semaphore_mem>>) src(%arg9 : memref<100x128xf32, #tpu.memory_space<vmem>>) dst(%dma_wait3A_216 : memref<100x128xf32, #tpu.memory_space<hbm>>)
      tpu.yield
    }) : () -> ()
    %add3A_193 = arith.constant 100 : i32
    %add3A_194 = arith.addi %mul3A_14, %add3A_193 : i32
    "tpu.region"() ({
      %run_scoped3A_204 = tpu.sem_alloc : memref<!tpu.dma_semaphore, #tpu.memory_space<semaphore_mem>>
      %dma_start3A_205 = arith.constant 0 : i32
      %dma_start3A_206 = arith.constant 0 : i32
      %dma_start3A_207 = tpu.memref_slice %arg10[%dma_start3A_205, %dma_start3A_206] : memref<100x128xf32, #tpu.memory_space<vmem>> -> memref<60x128xf32, #tpu.memory_space<vmem>>
      %dma_start3A_208 = arith.constant 0 : i32
      %dma_start3A_209 = tpu.memref_slice %arg14[%add3A_194, %dma_start3A_208] : memref<2560x128xf32, #tpu.memory_space<vmem_shared>> -> memref<60x128xf32, #tpu.memory_space<vmem_shared>>
      %dma_start3A_210 = arith.constant 0 : i32
      %dma_start3A_211 = arith.constant 0 : i32
      %dma_start3A_212 = tpu.memref_slice %arg10[%dma_start3A_210, %dma_start3A_211] : memref<100x128xf32, #tpu.memory_space<vmem>> -> memref<60x128xf32, #tpu.memory_space<vmem>>
      %dma_start3A_213 = arith.constant 0 : i32
      %dma_start3A_214 = tpu.memref_slice %arg14[%add3A_194, %dma_start3A_213] : memref<2560x128xf32, #tpu.memory_space<vmem_shared>> -> memref<60x128xf32, #tpu.memory_space<vmem_shared>>
      tpu.enqueue_dma source(%dma_start3A_214 : memref<60x128xf32, #tpu.memory_space<vmem_shared>>) target(%dma_start3A_212 : memref<60x128xf32, #tpu.memory_space<vmem>>) target_semaphore(%run_scoped3A_204 : memref<!tpu.dma_semaphore, #tpu.memory_space<semaphore_mem>>)
      %dma_wait3A_215 = arith.constant 0 : i32
      %dma_wait3A_216 = arith.constant 0 : i32
      %dma_wait3A_217 = tpu.memref_slice %arg10[%dma_wait3A_215, %dma_wait3A_216] : memref<100x128xf32, #tpu.memory_space<vmem>> -> memref<60x128xf32, #tpu.memory_space<vmem>>
      %dma_wait3A_218 = arith.constant 0 : i32
      %dma_wait3A_219 = tpu.memref_slice %arg14[%add3A_194, %dma_wait3A_218] : memref<2560x128xf32, #tpu.memory_space<vmem_shared>> -> memref<60x128xf32, #tpu.memory_space<vmem_shared>>
      %dma_wait3A_220 = arith.constant 0 : i32
      %dma_wait3A_221 = arith.constant 0 : i32
      %dma_wait3A_222 = tpu.memref_slice %arg10[%dma_wait3A_220, %dma_wait3A_221] : memref<100x128xf32, #tpu.memory_space<vmem>> -> memref<60x128xf32, #tpu.memory_space<vmem>>
      %dma_wait3A_223 = arith.constant 0 : i32
      %dma_wait3A_224 = tpu.memref_slice %arg14[%add3A_194, %dma_wait3A_223] : memref<2560x128xf32, #tpu.memory_space<vmem_shared>> -> memref<60x128xf32, #tpu.memory_space<vmem_shared>>
      tpu.wait_dma2 semaphore(%run_scoped3A_204 : memref<!tpu.dma_semaphore, #tpu.memory_space<semaphore_mem>>) src(%dma_wait3A_224 : memref<60x128xf32, #tpu.memory_space<vmem_shared>>) dst(%dma_wait3A_222 : memref<60x128xf32, #tpu.memory_space<vmem>>)
      tpu.yield
    }) : () -> ()
    %add3A_195 = arith.constant 100 : i32
    %add3A_196 = arith.addi %mul3A_14, %add3A_195 : i32
    %run_scoped3A_197 = arith.constant 0 : i32
    "tpu.region"() ({
      %run_scoped3A_204 = tpu.sem_alloc : memref<!tpu.dma_semaphore, #tpu.memory_space<semaphore_mem>>
      %dma_start3A_205 = arith.constant 0 : i32
      %dma_start3A_206 = arith.constant 0 : i32
      %dma_start3A_207 = tpu.memref_slice %arg10[%dma_start3A_205, %dma_start3A_206] : memref<100x128xf32, #tpu.memory_space<vmem>> -> memref<60x128xf32, #tpu.memory_space<vmem>>
      %dma_start3A_208 = arith.constant 0 : i32
      %dma_start3A_209 = tpu.memref_slice %arg5[%arg0, %run_scoped3A_197, %add3A_196, %dma_start3A_208] : memref<2x2x2560x128xf32, #tpu.memory_space<hbm>> -> memref<1x1x60x128xf32, #tpu.memory_space<hbm>>
      %dma_start3A_210 = tpu.memref_squeeze %dma_start3A_209 : memref<1x1x60x128xf32, #tpu.memory_space<hbm>> -> memref<60x128xf32, #tpu.memory_space<hbm>>
      %dma_start3A_211 = arith.constant 0 : i32
      %dma_start3A_212 = tpu.memref_slice %arg5[%arg0, %run_scoped3A_197, %add3A_196, %dma_start3A_211] : memref<2x2x2560x128xf32, #tpu.memory_space<hbm>> -> memref<1x1x60x128xf32, #tpu.memory_space<hbm>>
      %dma_start3A_213 = tpu.memref_squeeze %dma_start3A_212 : memref<1x1x60x128xf32, #tpu.memory_space<hbm>> -> memref<60x128xf32, #tpu.memory_space<hbm>>
      %dma_start3A_214 = arith.constant 0 : i32
      %dma_start3A_215 = arith.constant 0 : i32
      %dma_start3A_216 = tpu.memref_slice %arg10[%dma_start3A_214, %dma_start3A_215] : memref<100x128xf32, #tpu.memory_space<vmem>> -> memref<60x128xf32, #tpu.memory_space<vmem>>
      tpu.enqueue_dma source(%dma_start3A_216 : memref<60x128xf32, #tpu.memory_space<vmem>>) target(%dma_start3A_213 : memref<60x128xf32, #tpu.memory_space<hbm>>) target_semaphore(%run_scoped3A_204 : memref<!tpu.dma_semaphore, #tpu.memory_space<semaphore_mem>>)
      %dma_wait3A_217 = arith.constant 0 : i32
      %dma_wait3A_218 = arith.constant 0 : i32
      %dma_wait3A_219 = tpu.memref_slice %arg10[%dma_wait3A_217, %dma_wait3A_218] : memref<100x128xf32, #tpu.memory_space<vmem>> -> memref<60x128xf32, #tpu.memory_space<vmem>>
      %dma_wait3A_220 = arith.constant 0 : i32
      %dma_wait3A_221 = tpu.memref_slice %arg5[%arg0, %run_scoped3A_197, %add3A_196, %dma_wait3A_220] : memref<2x2x2560x128xf32, #tpu.memory_space<hbm>> -> memref<1x1x60x128xf32, #tpu.memory_space<hbm>>
      %dma_wait3A_222 = tpu.memref_squeeze %dma_wait3A_221 : memref<1x1x60x128xf32, #tpu.memory_space<hbm>> -> memref<60x128xf32, #tpu.memory_space<hbm>>
      %dma_wait3A_223 = arith.constant 0 : i32
      %dma_wait3A_224 = tpu.memref_slice %arg5[%arg0, %run_scoped3A_197, %add3A_196, %dma_wait3A_223] : memref<2x2x2560x128xf32, #tpu.memory_space<hbm>> -> memref<1x1x60x128xf32, #tpu.memory_space<hbm>>
      %dma_wait3A_225 = tpu.memref_squeeze %dma_wait3A_224 : memref<1x1x60x128xf32, #tpu.memory_space<hbm>> -> memref<60x128xf32, #tpu.memory_space<hbm>>
      %dma_wait3A_226 = arith.constant 0 : i32
      %dma_wait3A_227 = arith.constant 0 : i32
      %dma_wait3A_228 = tpu.memref_slice %arg10[%dma_wait3A_226, %dma_wait3A_227] : memref<100x128xf32, #tpu.memory_space<vmem>> -> memref<60x128xf32, #tpu.memory_space<vmem>>
      tpu.wait_dma2 semaphore(%run_scoped3A_204 : memref<!tpu.dma_semaphore, #tpu.memory_space<semaphore_mem>>) src(%dma_wait3A_228 : memref<60x128xf32, #tpu.memory_space<vmem>>) dst(%dma_wait3A_225 : memref<60x128xf32, #tpu.memory_space<hbm>>)
      tpu.yield
    }) : () -> ()
    "tpu.region"() ({
      %run_scoped3A_204 = tpu.sem_alloc : memref<!tpu.dma_semaphore, #tpu.memory_space<semaphore_mem>>
      %dma_start3A_205 = arith.constant 0 : i32
      %dma_start3A_206 = tpu.memref_slice %arg15[%mul3A_14, %dma_start3A_205] : memref<2560x128xf32, #tpu.memory_space<vmem_shared>> -> memref<100x128xf32, #tpu.memory_space<vmem_shared>>
      %dma_start3A_207 = arith.constant 0 : i32
      %dma_start3A_208 = tpu.memref_slice %arg15[%mul3A_14, %dma_start3A_207] : memref<2560x128xf32, #tpu.memory_space<vmem_shared>> -> memref<100x128xf32, #tpu.memory_space<vmem_shared>>
      tpu.enqueue_dma source(%dma_start3A_208 : memref<100x128xf32, #tpu.memory_space<vmem_shared>>) target(%arg11 : memref<100x128xf32, #tpu.memory_space<vmem>>) target_semaphore(%run_scoped3A_204 : memref<!tpu.dma_semaphore, #tpu.memory_space<semaphore_mem>>)
      %dma_wait3A_209 = arith.constant 0 : i32
      %dma_wait3A_210 = tpu.memref_slice %arg15[%mul3A_14, %dma_wait3A_209] : memref<2560x128xf32, #tpu.memory_space<vmem_shared>> -> memref<100x128xf32, #tpu.memory_space<vmem_shared>>
      %dma_wait3A_211 = arith.constant 0 : i32
      %dma_wait3A_212 = tpu.memref_slice %arg15[%mul3A_14, %dma_wait3A_211] : memref<2560x128xf32, #tpu.memory_space<vmem_shared>> -> memref<100x128xf32, #tpu.memory_space<vmem_shared>>
      tpu.wait_dma2 semaphore(%run_scoped3A_204 : memref<!tpu.dma_semaphore, #tpu.memory_space<semaphore_mem>>) src(%dma_wait3A_212 : memref<100x128xf32, #tpu.memory_space<vmem_shared>>) dst(%arg11 : memref<100x128xf32, #tpu.memory_space<vmem>>)
      tpu.yield
    }) : () -> ()
    %run_scoped3A_198 = arith.constant 1 : i32
    "tpu.region"() ({
      %run_scoped3A_204 = tpu.sem_alloc : memref<!tpu.dma_semaphore, #tpu.memory_space<semaphore_mem>>
      %dma_start3A_205 = arith.constant 0 : i32
      %dma_start3A_206 = tpu.memref_slice %arg5[%arg0, %run_scoped3A_198, %mul3A_14, %dma_start3A_205] : memref<2x2x2560x128xf32, #tpu.memory_space<hbm>> -> memref<1x1x100x128xf32, #tpu.memory_space<hbm>>
      %dma_start3A_207 = tpu.memref_squeeze %dma_start3A_206 : memref<1x1x100x128xf32, #tpu.memory_space<hbm>> -> memref<100x128xf32, #tpu.memory_space<hbm>>
      %dma_start3A_208 = arith.constant 0 : i32
      %dma_start3A_209 = tpu.memref_slice %arg5[%arg0, %run_scoped3A_198, %mul3A_14, %dma_start3A_208] : memref<2x2x2560x128xf32, #tpu.memory_space<hbm>> -> memref<1x1x100x128xf32, #tpu.memory_space<hbm>>
      %dma_start3A_210 = tpu.memref_squeeze %dma_start3A_209 : memref<1x1x100x128xf32, #tpu.memory_space<hbm>> -> memref<100x128xf32, #tpu.memory_space<hbm>>
      tpu.enqueue_dma source(%arg11 : memref<100x128xf32, #tpu.memory_space<vmem>>) target(%dma_start3A_210 : memref<100x128xf32, #tpu.memory_space<hbm>>) target_semaphore(%run_scoped3A_204 : memref<!tpu.dma_semaphore, #tpu.memory_space<semaphore_mem>>)
      %dma_wait3A_211 = arith.constant 0 : i32
      %dma_wait3A_212 = tpu.memref_slice %arg5[%arg0, %run_scoped3A_198, %mul3A_14, %dma_wait3A_211] : memref<2x2x2560x128xf32, #tpu.memory_space<hbm>> -> memref<1x1x100x128xf32, #tpu.memory_space<hbm>>
      %dma_wait3A_213 = tpu.memref_squeeze %dma_wait3A_212 : memref<1x1x100x128xf32, #tpu.memory_space<hbm>> -> memref<100x128xf32, #tpu.memory_space<hbm>>
      %dma_wait3A_214 = arith.constant 0 : i32
      %dma_wait3A_215 = tpu.memref_slice %arg5[%arg0, %run_scoped3A_198, %mul3A_14, %dma_wait3A_214] : memref<2x2x2560x128xf32, #tpu.memory_space<hbm>> -> memref<1x1x100x128xf32, #tpu.memory_space<hbm>>
      %dma_wait3A_216 = tpu.memref_squeeze %dma_wait3A_215 : memref<1x1x100x128xf32, #tpu.memory_space<hbm>> -> memref<100x128xf32, #tpu.memory_space<hbm>>
      tpu.wait_dma2 semaphore(%run_scoped3A_204 : memref<!tpu.dma_semaphore, #tpu.memory_space<semaphore_mem>>) src(%arg11 : memref<100x128xf32, #tpu.memory_space<vmem>>) dst(%dma_wait3A_216 : memref<100x128xf32, #tpu.memory_space<hbm>>)
      tpu.yield
    }) : () -> ()
    %add3A_199 = arith.constant 100 : i32
    %add3A_200 = arith.addi %mul3A_14, %add3A_199 : i32
    "tpu.region"() ({
      %run_scoped3A_204 = tpu.sem_alloc : memref<!tpu.dma_semaphore, #tpu.memory_space<semaphore_mem>>
      %dma_start3A_205 = arith.constant 0 : i32
      %dma_start3A_206 = arith.constant 0 : i32
      %dma_start3A_207 = tpu.memref_slice %arg12[%dma_start3A_205, %dma_start3A_206] : memref<100x128xf32, #tpu.memory_space<vmem>> -> memref<60x128xf32, #tpu.memory_space<vmem>>
      %dma_start3A_208 = arith.constant 0 : i32
      %dma_start3A_209 = tpu.memref_slice %arg15[%add3A_200, %dma_start3A_208] : memref<2560x128xf32, #tpu.memory_space<vmem_shared>> -> memref<60x128xf32, #tpu.memory_space<vmem_shared>>
      %dma_start3A_210 = arith.constant 0 : i32
      %dma_start3A_211 = arith.constant 0 : i32
      %dma_start3A_212 = tpu.memref_slice %arg12[%dma_start3A_210, %dma_start3A_211] : memref<100x128xf32, #tpu.memory_space<vmem>> -> memref<60x128xf32, #tpu.memory_space<vmem>>
      %dma_start3A_213 = arith.constant 0 : i32
      %dma_start3A_214 = tpu.memref_slice %arg15[%add3A_200, %dma_start3A_213] : memref<2560x128xf32, #tpu.memory_space<vmem_shared>> -> memref<60x128xf32, #tpu.memory_space<vmem_shared>>
      tpu.enqueue_dma source(%dma_start3A_214 : memref<60x128xf32, #tpu.memory_space<vmem_shared>>) target(%dma_start3A_212 : memref<60x128xf32, #tpu.memory_space<vmem>>) target_semaphore(%run_scoped3A_204 : memref<!tpu.dma_semaphore, #tpu.memory_space<semaphore_mem>>)
      %dma_wait3A_215 = arith.constant 0 : i32
      %dma_wait3A_216 = arith.constant 0 : i32
      %dma_wait3A_217 = tpu.memref_slice %arg12[%dma_wait3A_215, %dma_wait3A_216] : memref<100x128xf32, #tpu.memory_space<vmem>> -> memref<60x128xf32, #tpu.memory_space<vmem>>
      %dma_wait3A_218 = arith.constant 0 : i32
      %dma_wait3A_219 = tpu.memref_slice %arg15[%add3A_200, %dma_wait3A_218] : memref<2560x128xf32, #tpu.memory_space<vmem_shared>> -> memref<60x128xf32, #tpu.memory_space<vmem_shared>>
      %dma_wait3A_220 = arith.constant 0 : i32
      %dma_wait3A_221 = arith.constant 0 : i32
      %dma_wait3A_222 = tpu.memref_slice %arg12[%dma_wait3A_220, %dma_wait3A_221] : memref<100x128xf32, #tpu.memory_space<vmem>> -> memref<60x128xf32, #tpu.memory_space<vmem>>
      %dma_wait3A_223 = arith.constant 0 : i32
      %dma_wait3A_224 = tpu.memref_slice %arg15[%add3A_200, %dma_wait3A_223] : memref<2560x128xf32, #tpu.memory_space<vmem_shared>> -> memref<60x128xf32, #tpu.memory_space<vmem_shared>>
      tpu.wait_dma2 semaphore(%run_scoped3A_204 : memref<!tpu.dma_semaphore, #tpu.memory_space<semaphore_mem>>) src(%dma_wait3A_224 : memref<60x128xf32, #tpu.memory_space<vmem_shared>>) dst(%dma_wait3A_222 : memref<60x128xf32, #tpu.memory_space<vmem>>)
      tpu.yield
    }) : () -> ()
    %add3A_201 = arith.constant 100 : i32
    %add3A_202 = arith.addi %mul3A_14, %add3A_201 : i32
    %run_scoped3A_203 = arith.constant 1 : i32
    "tpu.region"() ({
      %run_scoped3A_204 = tpu.sem_alloc : memref<!tpu.dma_semaphore, #tpu.memory_space<semaphore_mem>>
      %dma_start3A_205 = arith.constant 0 : i32
      %dma_start3A_206 = arith.constant 0 : i32
      %dma_start3A_207 = tpu.memref_slice %arg12[%dma_start3A_205, %dma_start3A_206] : memref<100x128xf32, #tpu.memory_space<vmem>> -> memref<60x128xf32, #tpu.memory_space<vmem>>
      %dma_start3A_208 = arith.constant 0 : i32
      %dma_start3A_209 = tpu.memref_slice %arg5[%arg0, %run_scoped3A_203, %add3A_202, %dma_start3A_208] : memref<2x2x2560x128xf32, #tpu.memory_space<hbm>> -> memref<1x1x60x128xf32, #tpu.memory_space<hbm>>
      %dma_start3A_210 = tpu.memref_squeeze %dma_start3A_209 : memref<1x1x60x128xf32, #tpu.memory_space<hbm>> -> memref<60x128xf32, #tpu.memory_space<hbm>>
      %dma_start3A_211 = arith.constant 0 : i32
      %dma_start3A_212 = tpu.memref_slice %arg5[%arg0, %run_scoped3A_203, %add3A_202, %dma_start3A_211] : memref<2x2x2560x128xf32, #tpu.memory_space<hbm>> -> memref<1x1x60x128xf32, #tpu.memory_space<hbm>>
      %dma_start3A_213 = tpu.memref_squeeze %dma_start3A_212 : memref<1x1x60x128xf32, #tpu.memory_space<hbm>> -> memref<60x128xf32, #tpu.memory_space<hbm>>
      %dma_start3A_214 = arith.constant 0 : i32
      %dma_start3A_215 = arith.constant 0 : i32
      %dma_start3A_216 = tpu.memref_slice %arg12[%dma_start3A_214, %dma_start3A_215] : memref<100x128xf32, #tpu.memory_space<vmem>> -> memref<60x128xf32, #tpu.memory_space<vmem>>
      tpu.enqueue_dma source(%dma_start3A_216 : memref<60x128xf32, #tpu.memory_space<vmem>>) target(%dma_start3A_213 : memref<60x128xf32, #tpu.memory_space<hbm>>) target_semaphore(%run_scoped3A_204 : memref<!tpu.dma_semaphore, #tpu.memory_space<semaphore_mem>>)
      %dma_wait3A_217 = arith.constant 0 : i32
      %dma_wait3A_218 = arith.constant 0 : i32
      %dma_wait3A_219 = tpu.memref_slice %arg12[%dma_wait3A_217, %dma_wait3A_218] : memref<100x128xf32, #tpu.memory_space<vmem>> -> memref<60x128xf32, #tpu.memory_space<vmem>>
      %dma_wait3A_220 = arith.constant 0 : i32
      %dma_wait3A_221 = tpu.memref_slice %arg5[%arg0, %run_scoped3A_203, %add3A_202, %dma_wait3A_220] : memref<2x2x2560x128xf32, #tpu.memory_space<hbm>> -> memref<1x1x60x128xf32, #tpu.memory_space<hbm>>
      %dma_wait3A_222 = tpu.memref_squeeze %dma_wait3A_221 : memref<1x1x60x128xf32, #tpu.memory_space<hbm>> -> memref<60x128xf32, #tpu.memory_space<hbm>>
      %dma_wait3A_223 = arith.constant 0 : i32
      %dma_wait3A_224 = tpu.memref_slice %arg5[%arg0, %run_scoped3A_203, %add3A_202, %dma_wait3A_223] : memref<2x2x2560x128xf32, #tpu.memory_space<hbm>> -> memref<1x1x60x128xf32, #tpu.memory_space<hbm>>
      %dma_wait3A_225 = tpu.memref_squeeze %dma_wait3A_224 : memref<1x1x60x128xf32, #tpu.memory_space<hbm>> -> memref<60x128xf32, #tpu.memory_space<hbm>>
      %dma_wait3A_226 = arith.constant 0 : i32
      %dma_wait3A_227 = arith.constant 0 : i32
      %dma_wait3A_228 = tpu.memref_slice %arg12[%dma_wait3A_226, %dma_wait3A_227] : memref<100x128xf32, #tpu.memory_space<vmem>> -> memref<60x128xf32, #tpu.memory_space<vmem>>
      tpu.wait_dma2 semaphore(%run_scoped3A_204 : memref<!tpu.dma_semaphore, #tpu.memory_space<semaphore_mem>>) src(%dma_wait3A_228 : memref<60x128xf32, #tpu.memory_space<vmem>>) dst(%dma_wait3A_225 : memref<60x128xf32, #tpu.memory_space<hbm>>)
      tpu.yield
    }) : () -> ()
    return
  }
}

module attributes {stable_mosaic.version = 14 : i64} {
  func.func @body(%arg0: memref<2x2x2560x128xf32, #tpu.memory_space<vmem>>, %arg1: memref<2500x1xf32, #tpu.memory_space<vmem>>, %arg2: memref<2x2500x128xf32, #tpu.memory_space<vmem>>) attributes {dimension_semantics = [], scalar_prefetch = 0 : i64, scratch_operands = 0 : i64, tpu.core_type = #tpu.core_type<tc>} {
    %get3A = arith.constant 0 : index
    %get3A_0 = arith.constant 0 : index
    %get3A_1 = vector.load %arg1[%get3A, %get3A_0] : memref<2500x1xf32, #tpu.memory_space<vmem>>, vector<2500x1xf32>
    %get3A_2 = arith.constant 0 : index
    %get3A_3 = arith.constant 0 : index
    %get3A_4 = arith.constant 0 : index
    %get3A_5 = arith.constant 0 : index
    %get3A_6 = vector.load %arg0[%get3A_2, %get3A_3, %get3A_4, %get3A_5] : memref<2x2x2560x128xf32, #tpu.memory_space<vmem>>, vector<1x1x2500x128xf32>
    %get3A_7 = vector.shape_cast %get3A_6 : vector<1x1x2500x128xf32> to vector<2500x128xf32>
    %get3A_8 = arith.constant 1 : index
    %get3A_9 = arith.constant 0 : index
    %get3A_10 = arith.constant 0 : index
    %get3A_11 = arith.constant 0 : index
    %get3A_12 = vector.load %arg0[%get3A_8, %get3A_9, %get3A_10, %get3A_11] : memref<2x2x2560x128xf32, #tpu.memory_space<vmem>>, vector<1x1x2500x128xf32>
    %get3A_13 = vector.shape_cast %get3A_12 : vector<1x1x2500x128xf32> to vector<2500x128xf32>
    %add3A = arith.addf %get3A_7, %get3A_13 : vector<2500x128xf32>
    %div3A = vector.broadcast %get3A_1 : vector<2500x1xf32> to vector<2500x128xf32>
    %div3A_14 = arith.divf %add3A, %div3A : vector<2500x128xf32>
    %swap3A = arith.constant 0 : index
    %swap3A_15 = arith.constant 0 : index
    %swap3A_16 = arith.constant 0 : index
    %swap3A_17 = vector.load %arg2[%swap3A, %swap3A_15, %swap3A_16] : memref<2x2500x128xf32, #tpu.memory_space<vmem>>, vector<1x2500x128xf32>
    %swap3A_18 = vector.shape_cast %swap3A_17 : vector<1x2500x128xf32> to vector<2500x128xf32>
    %swap3A_19 = vector.shape_cast %div3A_14 : vector<2500x128xf32> to vector<1x2500x128xf32>
    tpu.vector_store %arg2[%swap3A, %swap3A_15, %swap3A_16], %swap3A_19 {strides = array<i32>} : memref<2x2500x128xf32, #tpu.memory_space<vmem>>, vector<1x2500x128xf32>,
    %get3A_20 = arith.constant 0 : index
    %get3A_21 = arith.constant 1 : index
    %get3A_22 = arith.constant 0 : index
    %get3A_23 = arith.constant 0 : index
    %get3A_24 = vector.load %arg0[%get3A_20, %get3A_21, %get3A_22, %get3A_23] : memref<2x2x2560x128xf32, #tpu.memory_space<vmem>>, vector<1x1x2500x128xf32>
    %get3A_25 = vector.shape_cast %get3A_24 : vector<1x1x2500x128xf32> to vector<2500x128xf32>
    %get3A_26 = arith.constant 1 : index
    %get3A_27 = arith.constant 1 : index
    %get3A_28 = arith.constant 0 : index
    %get3A_29 = arith.constant 0 : index
    %get3A_30 = vector.load %arg0[%get3A_26, %get3A_27, %get3A_28, %get3A_29] : memref<2x2x2560x128xf32, #tpu.memory_space<vmem>>, vector<1x1x2500x128xf32>
    %get3A_31 = vector.shape_cast %get3A_30 : vector<1x1x2500x128xf32> to vector<2500x128xf32>
    %add3A_32 = arith.addf %get3A_25, %get3A_31 : vector<2500x128xf32>
    %div3A_33 = vector.broadcast %get3A_1 : vector<2500x1xf32> to vector<2500x128xf32>
    %div3A_34 = arith.divf %add3A_32, %div3A_33 : vector<2500x128xf32>
    %swap3A_35 = arith.constant 1 : index
    %swap3A_36 = arith.constant 0 : index
    %swap3A_37 = arith.constant 0 : index
    %swap3A_38 = vector.load %arg2[%swap3A_35, %swap3A_36, %swap3A_37] : memref<2x2500x128xf32, #tpu.memory_space<vmem>>, vector<1x2500x128xf32>
    %swap3A_39 = vector.shape_cast %swap3A_38 : vector<1x2500x128xf32> to vector<2500x128xf32>
    %swap3A_40 = vector.shape_cast %div3A_34 : vector<2500x128xf32> to vector<1x2500x128xf32>
    tpu.vector_store %arg2[%swap3A_35, %swap3A_36, %swap3A_37], %swap3A_40 {strides = array<i32>} : memref<2x2500x128xf32, #tpu.memory_space<vmem>>, vector<1x2500x128xf32>,
    return
  }
}

</mosaic_0001>

<sc_bundles>
// kernel: kernel.4.cloned.1.call-start
scs
__scs_entry_jumppad:
0x0: {  	(pc) =	sbr.rel $0x88, $3  }
0x1: {  	(tag) =	ssettag $0x0;
	lr =	simm.s32 $0x1  }
0x2: {  	[smem:$0x3F9F] =	sst lr;
	_ =	strace $0xD0000000  }
0x3: {  	_ = 	snop  }
0x4: {  	_ = 	snop  }
0x5: {  	_ = 	snop  }
0x6: {  	_ = 	snop  }
0x7: {  	_ = 	snop  }
__scs_overlays_trampoline_lowered:
0x8: {  	[smem:$0x3FAE] =	sst s0  }
0x9: {  	[smem:$0x3FAF] =	sst s1  }
0xa: {  	[smem:$0x3FB0] =	sst s2  }
0xb: {  	[smem:$0x3FB1] =	sst s3  }
0xc: {  	[smem:$0x3FB2] =	sst s4  }
0xd: {  	[smem:$0x3FB3] =	sst s5  }
0xe: {  	[smem:$0x3FB4] =	sst s6  }
0xf: {  	[smem:$0x3FB5] =	sst s7  }
0x10: {  	[smem:$0x3FB6] =	sst s8  }
0x11: {  	[smem:$0x3FB7] =	sst s9;
	s0 =	simm.s32 @!p0 $0x0  }
0x12: {  	s1 =	sld [smem:$0x3F9D];
	s0 =	simm.s32 @p0 $0x1  }
0x13: {  	[smem:$0x3FB8] =	sst s0;
	s0 =	simm.s32 @!p1 $0x0  }
0x14: {  	s2 =	sld [smem:$0x3F9C];
	s0 =	simm.s32 @p1 $0x1  }
0x15: {  	[smem:$0x3FB9] =	sst s0;
	s0 =	simm.s32 @!p2 $0x0  }
0x16: {  	s3 =	sld [smem:$0x3FDB];
	s0 =	simm.s32 @p2 $0x1  }
0x17: {  	s4 =	simm.s32 $0x1BF5;
	[smem:$0x3FBB] =	sst s0  }
0x18: {  	s0 =	sld [smem:$0x3F9E];
	_ =	swait.ge [sflag:s4], $0x0  }
0x19: {  	s7 =	sld [smem:$0x3F9F]  }
0x1a: {  	s8 =	sadd.s32 $0xFFFFE003, lr  }
0x1b: {  	s9 =	sadd.s32 $0xFFFFFEF7, lr;
	s5 =	simm.s32 $0xFFFFFFFF;
	p2 =	slt.u32 s8, $0xFFFFF086  }
0x1c: {  	p1 =	slt.u32 s9, $0xF7A;
	s5 =	simm.s32 @!p2 $0x0  }
0x1d: {  	s5 =	simm.s32 @p1 $0x1;
	p0 =	seq.s32 s7, s2  }
0x1e: {  	s7 =	smul.u32 @!p0 $0xF7A, s2;
	p2 =	seq.s32 @!p0 s5, $0x0  }
0x1f: {  	s9 =	smul.u32 $0xF7A, s1;
	s8 =	simm.s32 @!p0 $0x1BF5;
	p2 =	por !p2, p0  }
0x20: {  	[sflag:s8] =	ssyncset.s32 @!p0 $0xFFFFF086;
	s6 =	sadd.s32 @!p0 s3, s7;
	s7 =	simm.s32 @!p0 $0x108  }
0x21: {  	s3 =	sadd.s32 s3, s9;
	s6 =	sadd.s32 @!p0 $0x88, s6;
	s7 =	simm.s32 @p2 $0x1082  }
0x22: {  	[simem:s7], [sflag:s8] =	dma.local @!p0 [hbm:s6], $0xF7A  }
0x23: {  	s9 =	sor.u32 $0xD0000000, s2;
	s6 =	simm.s32 $0x108;
	_ =	swait.ge @!p0 [sflag:s8], $0x0  }
0x24: {  	s3 =	sadd.s32 $0x88, s3;
	s6 =	simm.s32 @!p1 $0x1082;
	[sflag:s4] =	ssyncset.s32 $0xFFFFF086  }
0x25: {  	[simem:s6], [sflag:s4] =	dma.local [hbm:s3], $0xF7A  }
0x26: {  	[smem:$0x3F9F] =	sst s1;
	(tag) =	ssettag s2;
	_ =	strace s9  }
0x27: {  	s1 =	sld [smem:$0x3FAF]  }
0x28: {  	s2 =	sld [smem:$0x3FB0]  }
0x29: {  	s4 =	sld [smem:$0x3FB2]  }
0x2a: {  	p0 =	seq.s32 s5, $0x0;
	s5 =	sld [smem:$0x3FB3]  }
0x2b: {  	s6 =	sld [smem:$0x3FB4]  }
0x2c: {  	s7 =	sld [smem:$0x3FB5]  }
0x2d: {  	s3 =	simm.s32 $0x108;
	s8 =	sld [smem:$0x3FB6]  }
0x2e: {  	s3 =	simm.s32 @!p0 $0x1082;
	s9 =	sld [smem:$0x3FB7]  }
0x2f: {  	lr =	sadd.s32 s0, s3;
	s0 =	sld [smem:$0x3FAE]  }
0x30: {  	s3 =	sld [smem:$0x3FB1]  }
0x31: {  	[smem:$0x3FBA] =	sst s10  }
0x32: {  	s10 =	sld [smem:$0x3FB8];
	_ =	sdelay $0x3  }
0x33: {  	p0 =	seq.s32 s10, $0x1;
	s10 =	sld [smem:$0x3FBA];
	_ =	sdelay $0x3  }
0x34: {  	[smem:$0x3FBA] =	sst s10  }
0x35: {  	s10 =	sld [smem:$0x3FB9];
	_ =	sdelay $0x3  }
0x36: {  	p1 =	seq.s32 s10, $0x1;
	s10 =	sld [smem:$0x3FBA];
	_ =	sdelay $0x3  }
0x37: {  	[smem:$0x3FBA] =	sst s10  }
0x38: {  	s10 =	sld [smem:$0x3FBB]  }
0x39: {  	_ = 	snop;
	(pc) =	sbr.ind lr, $3  }
0x3a: {  	_ = 	snop  }
0x3b: {  	_ = 	snop  }
0x3c: {  	p2 =	seq.s32 s10, $0x1;
	s10 =	sld [smem:$0x3FBA]  }
0x3d: {  	_ =	shalt  }
0x3e: {  	_ =	shalt  }
0x3f: {  	_ =	shalt  }
0x40: {  	_ =	shalt  }
0x41: {  	_ =	shalt  }
0x42: {  	_ =	shalt  }
0x43: {  	_ =	shalt  }
0x44: {  	_ =	shalt  }
0x45: {  	_ =	shalt  }
0x46: {  	_ =	shalt  }
0x47: {  	_ =	shalt  }
0x48: {  	_ =	shalt  }
0x49: {  	_ =	shalt  }
0x4a: {  	_ =	shalt  }
0x4b: {  	_ =	shalt  }
0x4c: {  	_ =	shalt  }
0x4d: {  	_ =	shalt  }
0x4e: {  	_ =	shalt  }
0x4f: {  	_ =	shalt  }
0x50: {  	_ =	shalt  }
0x51: {  	_ =	shalt  }
0x52: {  	_ =	shalt  }
0x53: {  	_ =	shalt  }
0x54: {  	_ =	shalt  }
0x55: {  	_ =	shalt  }
0x56: {  	_ =	shalt  }
0x57: {  	_ =	shalt  }
0x58: {  	_ =	shalt  }
0x59: {  	_ =	shalt  }
0x5a: {  	_ =	shalt  }
0x5b: {  	_ =	shalt  }
0x5c: {  	_ =	shalt  }
0x5d: {  	_ =	shalt  }
0x5e: {  	_ =	shalt  }
0x5f: {  	_ =	shalt  }
0x60: {  	_ =	shalt  }
0x61: {  	_ =	shalt  }
0x62: {  	_ =	shalt  }
0x63: {  	_ =	shalt  }
0x64: {  	_ =	shalt  }
0x65: {  	_ =	shalt  }
0x66: {  	_ =	shalt  }
0x67: {  	_ =	shalt  }
0x68: {  	_ =	shalt  }
0x69: {  	_ =	shalt  }
0x6a: {  	_ =	shalt  }
0x6b: {  	_ =	shalt  }
0x6c: {  	_ =	shalt  }
0x6d: {  	_ =	shalt  }
0x6e: {  	_ =	shalt  }
0x6f: {  	_ =	shalt  }
0x70: {  	_ =	shalt  }
0x71: {  	_ =	shalt  }
0x72: {  	_ =	shalt  }
0x73: {  	_ =	shalt  }
0x74: {  	_ =	shalt  }
0x75: {  	_ =	shalt  }
0x76: {  	_ =	shalt  }
0x77: {  	_ =	shalt  }
0x78: {  	_ =	shalt  }
0x79: {  	_ =	shalt  }
0x7a: {  	_ =	shalt  }
0x7b: {  	_ =	shalt  }
0x7c: {  	_ =	shalt  }
0x7d: {  	_ =	shalt  }
0x7e: {  	_ =	shalt  }
0x7f: {  	_ =	shalt  }
0x80: {  	_ =	shalt  }
0x81: {  	_ =	shalt  }
0x82: {  	_ =	shalt  }
0x83: {  	_ =	shalt  }
0x84: {  	_ =	shalt  }
0x85: {  	_ =	shalt  }
0x86: {  	_ =	shalt  }
0x87: {  	_ =	shalt  }
.Lfunc_end0:
.L_simem_size_0:
called_computation_lowered:
.L_overlay_start_0:
0x88: {  	s2 =	sld [smem:$0x3FD9]  }
0x89: {  	s3 =	sld [smem:$0x3FFE];
	_ =	sdelay $0x1  }
0x8a: {  	s1 =	srdreg.scid  }
0x8b: {  	s0 =	sand.u32 $0x1, s1  }
0x8c: {  	s17 =	sshll.u32 s0, $0xA;
	s2 =	sadd.s32 s3, s2  }
0x8d: {  	s2 =	sadd.s32 s2, s17  }
0x8e: {  	[smem:$0x3FC6] =	sst s2  }
0x8f: {  	_ = 	snop  }
0x90: {  	s2 =	sld [smem:$0x3FC9]  }
0x91: {  	s18 =	sld [smem:$0x3FD0];
	(tm) =	ssettm $0x1  }
0x92: {  	s4 =	sld [smem:$0x3FFB];
	_ =	sdelay $0x3  }
0x93: {  	_ =	strace s4  }
0x94: {  	s4 =	sld [smem:$0x3FFC];
	_ =	sdelay $0x3  }
0x95: {  	_ =	strace s4  }
0x96: {  	s4 =	sld [smem:$0x3FFD];
	_ =	sdelay $0x3  }
0x97: {  	_ =	strace s4  }
0x98: {  	_ =	strace $0x8FFFFFFF  }
0x99: {  	s19 =	sld [smem:$0x3FDB];
	_ =	sdelay $0x1  }
0x9a: {  	s5 =	simm.s32 $_scs_section_size  }
0x9b: {  	s6 =	simm.s32 $_size__tile_overlayer_lowered;
	s7 =	simm.s32 $_tile_overlayer_lowered  }
0x9c: {  	s22 =	simm.s32 $0x1BFF;
	s21 =	sshll.u32 s7, $0x1;
	s4 =	sadd.s32 s5, s19  }
0x9d: {  	s8 =	simm.s32 $0x0;
	s20 =	sshll.u32 s6, $0x1;
	s6 =	sadd.s32 s21, s4  }
0x9e: {  	[timem:s8], [sflag:s22] =	dma.local [hbm:s6], s20  }
0x9f: {  	_ =	swait.ge [sflag:s22], s20  }
0xa0: {  	s5 =	ssub.s32 $0x0, s20;
	[sflag:s22] =	ssyncset.done $0x0  }
0xa1: {  	[sflag:s22] =	ssyncadd.s32 s5;
	_ =	sdelay $0x1  }
0xa2: {  	s23 =	simm.s32 $0x1B8B  }
0xa3: {  	_ =	swait.ge [sflag:s23], $0x1  }
0xa4: {  	[sflag:s23] =	ssyncset.done $0x0  }
0xa5: {  	s25 =	simm.s32 $0x1B8E;
	s24 =	sld [smem:$0x3FFE];
	[sflag:s23] =	ssyncadd.s32 $0xFFFFFFFF  }
0xa6: {  	s26 =	simm.s32 $execute0_lowered;
	[smem:$0x3FD2] =	sst s25  }
0xa7: {  	s6 =	sshll.u32 s26, $0x1;
	_ =	strace $0x80000046;
	[dreg:$0x1] =	wrdreg $0xFFFFFFFF  }
0xa8: {  	s28 =	simm.s32 $_size_execute0_lowered;
	s4 =	sadd.s32 s4, s6;
	[dreg:$0x0] =	wrdreg $0x0  }
0xa9: {  	s6 =	sshll.u32 s28, $0x1;
	[dreg:$0x2] =	wrdreg s4  }
0xaa: {  	[dreg:$0x3] =	wrdreg s6  }
0xab: {  	[dreg:$0x4] =	wrdreg $0xC0  }
0xac: {  	_ =	task [dreg:s8], $0x5FFFF  }
0xad: {  	[dreg:$0x1] =	wrdreg $0xFFFFFFFF  }
0xae: {  	[dreg:$0x0] =	wrdreg $0x60  }
0xaf: {  	[dreg:$0x2] =	wrdreg s2  }
0xb0: {  	[dreg:$0x3] =	wrdreg s18  }
0xb1: {  	[dreg:$0x4] =	wrdreg s24  }
0xb2: {  	[dreg:$0x5] =	wrdreg $0x123400  }
0xb3: {  	[dreg:$0x6] =	wrdreg $0x173400  }
0xb4: {  	[dreg:$0x7] =	wrdreg $0x9  }
0xb5: {  	_ =	task.clear_ibuf [dreg:s8], $0x8FFFF;
	_ =	strace $0x90000046  }
0xb6: {  	s29 =	simm.s32 $0x9;
	_ =	strace $0x80000048  }
0xb7: {  	_ =	swait.ge [sflag:s29], $0x1  }
0xb8: {  	[sflag:s29] =	ssyncadd.s32 $0xFFFFFFFF  }
0xb9: {  	_ =	strace $0x90000048  }
0xba: {  	_ =	sfence  }
0xbb: {  	s30 =	sld [smem:$0x0];
	_ =	sdelay $0x2  }
0xbc: {  	s31 =	sshll.u32 s1, $0xD;
	s1 =	sshrl.u32 s1, $0x2  }
0xbd: {  	s3 =	sand.u32 $0x4000, s31;
	s1 =	sadd.s32 s1, s30  }
0xbe: {  	s0 =	sor.u32 s3, s0;
	s1 =	sshll.u32 s1, $0x11  }
0xbf: {  	s0 =	sor.u32 s1, s0  }
0xc0: {  	s0 =	sadd.s32 $0x8F2B, s0  }
0xc1: {  	[sflag:s0] =	ssyncadd.remote.s32 $0x1  }
0xc2: {  	_ =	sfence.sel $0xFFFF  }
0xc3: {  	[dreg:$0x0] =	wrdreg $0xFFFFFFFF;
	(pc) =	sbr.abs _section_cstart, $3  }
0xc4: {  	[dreg:$0x1] =	wrdreg $0xFFFFFFFF  }
0xc5: {  	_ =	task.clear_ibuf [dreg:s8], $0x2FFFF;
	_ =	strace $0x9FFFFFFF  }
0xc6: {  	(tm) =	ssettm $0x7FFFFFFF  }
0xc7: {  	_ =	shalt  }
tec
execute0_lowered:
.L_overlay_start_1:
0x0: {  	(tag) =	ssettag $0x1  }
0x1: {  	s1 =	rddreg [dreg:$0x0]  }
0x2: {  	s0 =	rddreg [dreg:$0x1]  }
0x3: {  	s4 =	rddreg [dreg:$0x2]  }
0x4: {  	s2 =	rddreg [dreg:$0x3]  }
0x5: {  	s3 =	rddreg [dreg:$0x4]  }
0x6: {  	s5 =	srdreg.scid;
	s11 =	stileid.u32  }
0x7: {  	s19 =	simm.s32 $0x3;
	s28 =	simm.s32 $0x11940;
	s29 =	simm.s32 $0x2  }
0x8: {  	s30 =	simm.s32 $0x2838;
	s31 =	simm.s32 $0x5070;
	s6 =	sand.u32 $0x1, s5  }
0x9: {  	s5 =	simm.s32 $0x0;
	s8 =	smul.u32 $0xA00, s11;
	s14 =	sadd.s32 $0xCC00, s4  }
0xa: {  	s12 =	sadd.s32 $0x27100, s1;
	s7 =	smul.u32 $0xA000, s6;
	[smem:$0x7FF] =	sst s5  }
0xb: {  	s9 =	sshll.u32 s6, $0x4;
	s20 =	ssub.s32 $0x2, s6;
	s6 =	smul.u32 $0xA0000, s6  }
0xc: {  	_ =	strace $0x80000047;
	s9 =	sor.u32 s11, s9;
	s11 =	smul.u32 $0x5000, s11  }
0xd: {  	s10 =	sshrl.u32 s20, $0x1;
	s7 =	sadd.s32 s8, s7;
	s9 =	smul.u32 $0x514, s9  }
0xe: {  	s15 =	ssub.s32 s20, s10;
	s20 =	simm.s32 $0x28A0;
	s7 =	sshrl.u32 s7, $0x3  }
0xf: {  	s21 =	sadd.s32 $0x3200, s11;
	s8 =	sadd.s32 s11, s2;
	s10 =	sadd.s32 s11, s3  }
0x10: {  	s22 =	sadd.s32 s11, s6;
	s18 =	smax.u32 s15, $0x1;
	s7 =	sadd.s32 s7, s4  }
0x11: {  	s0 =	sadd.s32 s0, s9;
	s4 =	sadd.s32 s4, s9;
	s9 =	sadd.s32 s21, s2  }
0x12: {  	s6 =	sadd.s32 s6, s21;
	s11 =	sadd.s32 s21, s3;
	s23 =	sshrl.u32 s22, $0x3  }
0x13: {  	s21 =	simm.s32 $0x5140;
	s22 =	simm.s32 $0x64;
	[dreg:$0x6] =	wrdreg s0  }
0x14: {  	[dreg:$0x7] =	wrdreg s4;
	s24 =	sshrl.u32 s6, $0x3;
	s13 =	sadd.s32 s14, s23  }
0x15: {  	s25 =	sadd.s32 $0xA400, s7;
	s23 =	simm.s32 $0xB540;
	s0 =	simm.s32 $0x50D8  }
0x16: {  	s4 =	simm.s32 $0x0;
	s14 =	sadd.s32 s14, s24;
	[dreg:$0x8] =	wrdreg s25  }
0x17: {  	v0 =	vimm.f32 $0.0e+00;
	v1 =	vimm.f32 $1.000000000e+00;
	v4 =	vlaneseq.u32;
	s26 =	sadd.s32 $0xA000, s13;
	s24 =	simm.s32 $0x8340;
	s25 =	simm.s32 $0xE740  }
0x18: {  	v2 =	vor.u32 $0x60, v4;
	v3 =	vor.u32 $0x2830, v4;
	v4 =	vadd.s32 $0x2898, v4;
	[dreg:$0x9] =	wrdreg s26;
	s17 =	sadd.s32 $0xA000, s14;
	s26 =	simm.s32 $0x1  }
.LBB2_1:
0x19: {  	s6 =	rddreg [dreg:$0x6]  }
0x1a: {  	[tilespmem:s5], [sflag:$0x3] =	stream.linear.gather [hbm4b:s6+s5], $0x28A0, $0x38;
	[tilespmem:$0x1C340] =	vst v63  }
0x1b: {  	_ =	swait.ge [sflag:s19], $0x28A0  }
0x1c: {  	[sflag:s19] =	ssyncset.done $0x0  }
0x1d: {  	s16 =	rddreg [dreg:$0x7];
	[sflag:s19] =	ssyncadd.s32 $0xFFFFD760  }
0x1e: {  	[tilespmem:s20], [sflag:$0x3] =	stream.linear.gather [hbm4b:s16+s5], $0x28A0, $0x38;
	[tilespmem:$0x1C340] =	vst v63  }
0x1f: {  	_ =	swait.ge [sflag:s19], $0x28A0  }
0x20: {  	[sflag:s19] =	ssyncset.done $0x0  }
0x21: {  	s7 =	simm.s32 $0x3C0;
	s6 =	simm.s32 $0x70;
	[sflag:s19] =	ssyncadd.s32 $0xFFFFD760  }
.LBB2_2:
0x22: {  	p0 =	sne.s32 s7, $0xC7C0;
	[tilespmem:s6+$0x5140] =	vst v0  }
0x23: {  	[tilespmem:s6+$0x50D0] =	vst v0  }
0x24: {  	[tilespmem:s6+$0x50E0] =	vst v0  }
.Ltmp0:
0x25: {  	[tilespmem:s6+$0x50F0] =	vst v0;
	(pc) =	sbr.rel @p0 .LBB2_2-.Ltmp0, $4  }
0x26: {  	[tilespmem:s6+$0x5100] =	vst v0  }
0x27: {  	[tilespmem:s6+$0x5110] =	vst v0  }
0x28: {  	[tilespmem:s6+$0x5120] =	vst v0  }
0x29: {  	[tilespmem:s6+$0x5130] =	vst v0;
	s6 =	sshra.s32 s7, $0x2;
	s7 =	sadd.s32 $0x200, s7  }
0x2a: {  	[tilespmem:s6+$0x5140] =	vst v0  }
0x2b: {  	[tilespmem:s6+$0x50D0] =	vst v0  }
0x2c: {  	[tilespmem:s6+$0x50E0] =	vst v0  }
0x2d: {  	[tilespmem:s6+$0x50F0] =	vst v0  }
0x2e: {  	[tilespmem:s6+$0x5100] =	vst v0  }
0x2f: {  	[tilespmem:s6+$0x5110] =	vst v0  }
0x30: {  	[tilespmem:s6+$0x5120] =	vst v0  }
0x31: {  	[tilespmem:s6+$0x5130] =	vst v0;
	s6 =	simm.s32 $0x40;
	s7 =	simm.s32 $0x0  }
.LBB2_4:
0x32: {  	p0 =	sne.s32 s6, $0x27C0;
	[tilespmem:s7+$0x11940] =	vst v0;
	s7 =	smov.u32 s6;
	s6 =	sadd.s32 $0x40, s6  }
.Ltmp1:
0x33: {  	(pc) =	sbr.rel @p0 .LBB2_4-.Ltmp1, $2  }
0x34: {  	_ =	sdelay $0x2  }
0x35: {  	s7 =	sshra.s32 s7, $0x2  }
0x36: {  	[tilespmem:s7+$0x11940] =	vst v0  }
0x37: {  	[spmem:s8] =	stream.linear.scatter [tilespmem:s21], [sflag:$0x3], $0x3200, $0x38;
	[tilespmem:$0x1C340] =	vst v63  }
0x38: {  	_ =	swait.ge [sflag:s19], $0x3200  }
0x39: {  	[sflag:s19] =	ssyncset.done $0x0  }
0x3a: {  	[sflag:s19] =	ssyncadd.s32 $0xFFFFCE00  }
0x3b: {  	[spmem:s9] =	stream.linear.scatter [tilespmem:s21], [sflag:$0x3], $0x1E00, $0x38;
	[tilespmem:$0x1C340] =	vst v63  }
0x3c: {  	_ =	swait.ge [sflag:s19], $0x1E00  }
0x3d: {  	[sflag:s19] =	ssyncset.done $0x0  }
0x3e: {  	[sflag:s19] =	ssyncadd.s32 $0xFFFFE200  }
0x3f: {  	[spmem:s10] =	stream.linear.scatter [tilespmem:s21], [sflag:$0x3], $0x3200, $0x38;
	[tilespmem:$0x1C340] =	vst v63  }
0x40: {  	_ =	swait.ge [sflag:s19], $0x3200  }
0x41: {  	[sflag:s19] =	ssyncset.done $0x0  }
0x42: {  	[sflag:s19] =	ssyncadd.s32 $0xFFFFCE00  }
0x43: {  	[spmem:s11] =	stream.linear.scatter [tilespmem:s21], [sflag:$0x3], $0x1E00, $0x38;
	[tilespmem:$0x1C340] =	vst v63  }
0x44: {  	_ =	swait.ge [sflag:s19], $0x1E00  }
0x45: {  	[sflag:s19] =	ssyncset.done $0x0  }
0x46: {  	[sflag:s19] =	ssyncadd.s32 $0xFFFFE200  }
0x47: {  	s6 =	simm.s32 $0x0;
	[bflag:$0x0] =	sbarrier.arrive $0xFFFF  }
0x48: {  	[tilespmem:s21], [sflag:$0x1] =	stream.indirect.gather [hbm4b:s1+s22], $0x80, s6, s22, $0xb8;
	[tilespmem:$0x1C340] =	vst v63  }
0x49: {  	s7 =	simm.s32 $0x0  }
0x4a: {  	[tilespmem:s23], [sflag:$0x1] =	stream.indirect.gather [hbm4b:s12+s22], $0x80, s6, s22, $0xb8;
	[tilespmem:$0x1C340] =	vst v63  }
.LBB2_6:
0x4b: {  	s15 =	sshra.s32 s7, $0x2  }
0x4c: {  	s16 =	sadd.s32 $0x68, s15  }
0x4d: {  	[tilespmem:s24], [sflag:$0x2] =	stream.indirect.gather [hbm4b:s1+s22], $0x80, s16, s22, $0xb8;
	[tilespmem:$0x1C340] =	vst v63  }
0x4e: {  	_ = 	snop  }
0x4f: {  	[tilespmem:s25], [sflag:$0x2] =	stream.indirect.gather [hbm4b:s12+s22], $0x80, s16, s22, $0xb8;
	[tilespmem:$0x1C340] =	vst v63  }
0x50: {  	_ =	swait.ge [sflag:s26], $0x3200  }
0x51: {  	[sflag:s26] =	ssyncset.done $0x0  }
0x52: {  	[sflag:s26] =	ssyncadd.s32 $0xFFFFCE00  }
0x53: {  	_ =	swait.ge [sflag:s26], $0x3200  }
0x54: {  	[sflag:s26] =	ssyncset.done $0x0  }
0x55: {  	s16 =	sadd.s32 $0x28A0, s15;
	[sflag:s26] =	ssyncadd.s32 $0xFFFFCE00  }
0x56: {  	[spmem:s2] =	stream.indirect.scatter.add.f32 [tilespmem:s21], [sflag:$0x3], $0x80, s16, s22, $0xb8;
	[tilespmem:$0x1C340] =	vst v63  }
0x57: {  	_ =	swait.ge [sflag:s19], $0x3200  }
0x58: {  	[sflag:s19] =	ssyncset.done $0x0  }
0x59: {  	[sflag:s19] =	ssyncadd.s32 $0xFFFFCE00  }
0x5a: {  	[spmem:s3] =	stream.indirect.scatter.add.f32 [tilespmem:s23], [sflag:$0x3], $0x80, s16, s22, $0xb8;
	[tilespmem:$0x1C340] =	vst v63  }
0x5b: {  	_ =	swait.ge [sflag:s19], $0x3200  }
0x5c: {  	[sflag:s19] =	ssyncset.done $0x0  }
0x5d: {  	[sflag:s19] =	ssyncadd.s32 $0xFFFFCE00  }
0x5e: {  	v5 =	vld [tilespmem:s15+$0x28A0];
	_ =	sdelay $0x7  }
0x5f: {  	[tilespmem:v5+s28+$0x0] =	vst.idx.add.f32.msk $0xffff, v1  }
0x60: {  	v5 =	vld [tilespmem:s15+$0x28B0];
	_ =	sdelay $0x7  }
0x61: {  	[tilespmem:v5+s28+$0x0] =	vst.idx.add.f32.msk $0xffff, v1  }
0x62: {  	v5 =	vld [tilespmem:s15+$0x28C0];
	_ =	sdelay $0x7  }
0x63: {  	[tilespmem:v5+s28+$0x0] =	vst.idx.add.f32.msk $0xffff, v1  }
0x64: {  	v5 =	vld [tilespmem:s15+$0x28D0];
	_ =	sdelay $0x7  }
0x65: {  	[tilespmem:v5+s28+$0x0] =	vst.idx.add.f32.msk $0xffff, v1  }
0x66: {  	v5 =	vld [tilespmem:s15+$0x28E0];
	_ =	sdelay $0x7  }
0x67: {  	[tilespmem:v5+s28+$0x0] =	vst.idx.add.f32.msk $0xffff, v1;
	v5 =	vmov s6  }
0x68: {  	v6 =	vld [tilespmem:s15+$0x28F0];
	v5 =	vmul.u32 $0x68, v5;
	_ =	sdelay $0x1  }
0x69: {  	v5 =	vbroadcast v5, $0x0;
	_ =	sdelay $0x1  }
0x6a: {  	v5 =	vadd.s32 v2, v5;
	_ =	sdelay $0x3  }
0x6b: {  	[tilespmem:v6+s28+$0x0] =	vst.idx.add.f32.msk $0xffff, v1  }
0x6c: {  	v5 =	vld.idx.msk [tilespmem:v5+s20+$0x0], $0xf;
	_ =	sdelay $0x7  }
0x6d: {  	s16 =	sadd.s32 $0xD0, s15;
	[tilespmem:v5+s28+$0x0] =	vst.idx.add.f32.msk $0xf, v1  }
0x6e: {  	[tilespmem:s21], [sflag:$0x1] =	stream.indirect.gather [hbm4b:s1+s22], $0x80, s16, s22, $0xb8;
	[tilespmem:$0x1C340] =	vst v63  }
0x6f: {  	_ = 	snop  }
0x70: {  	[tilespmem:s23], [sflag:$0x1] =	stream.indirect.gather [hbm4b:s12+s22], $0x80, s16, s22, $0xb8;
	[tilespmem:$0x1C340] =	vst v63  }
0x71: {  	_ =	swait.ge [sflag:s29], $0x3200  }
0x72: {  	[sflag:s29] =	ssyncset.done $0x0  }
0x73: {  	[sflag:s29] =	ssyncadd.s32 $0xFFFFCE00  }
0x74: {  	_ =	swait.ge [sflag:s29], $0x3200  }
0x75: {  	[sflag:s29] =	ssyncset.done $0x0  }
0x76: {  	s16 =	sadd.s32 $0x2908, s15;
	[sflag:s29] =	ssyncadd.s32 $0xFFFFCE00  }
0x77: {  	[spmem:s2] =	stream.indirect.scatter.add.f32 [tilespmem:s24], [sflag:$0x3], $0x80, s16, s22, $0xb8;
	[tilespmem:$0x1C340] =	vst v63  }
0x78: {  	_ =	swait.ge [sflag:s19], $0x3200  }
0x79: {  	[sflag:s19] =	ssyncset.done $0x0  }
0x7a: {  	[sflag:s19] =	ssyncadd.s32 $0xFFFFCE00  }
0x7b: {  	[spmem:s3] =	stream.indirect.scatter.add.f32 [tilespmem:s25], [sflag:$0x3], $0x80, s16, s22, $0xb8;
	[tilespmem:$0x1C340] =	vst v63  }
0x7c: {  	_ =	swait.ge [sflag:s19], $0x3200  }
0x7d: {  	[sflag:s19] =	ssyncset.done $0x0  }
0x7e: {  	[sflag:s19] =	ssyncadd.s32 $0xFFFFCE00  }
0x7f: {  	v5 =	vld [tilespmem:s15+$0x2908];
	_ =	sdelay $0x7  }
0x80: {  	[tilespmem:v5+s28+$0x0] =	vst.idx.add.f32.msk $0xffff, v1  }
0x81: {  	v5 =	vld [tilespmem:s15+$0x2918];
	_ =	sdelay $0x7  }
0x82: {  	[tilespmem:v5+s28+$0x0] =	vst.idx.add.f32.msk $0xffff, v1  }
0x83: {  	v5 =	vld [tilespmem:s15+$0x2928];
	_ =	sdelay $0x7  }
0x84: {  	[tilespmem:v5+s28+$0x0] =	vst.idx.add.f32.msk $0xffff, v1  }
0x85: {  	v5 =	vld [tilespmem:s15+$0x2938];
	_ =	sdelay $0x7  }
0x86: {  	[tilespmem:v5+s28+$0x0] =	vst.idx.add.f32.msk $0xffff, v1  }
0x87: {  	v5 =	vld [tilespmem:s15+$0x2948];
	_ =	sdelay $0x6  }
0x88: {  	s16 =	sadd.s32 $0x1, s6  }
0x89: {  	[tilespmem:v5+s28+$0x0] =	vst.idx.add.f32.msk $0xffff, v1;
	v5 =	vmov s16  }
0x8a: {  	v6 =	vld [tilespmem:s15+$0x2958];
	v5 =	vmul.u32 $0x68, v5;
	_ =	sdelay $0x1  }
0x8b: {  	v5 =	vbroadcast v5, $0x0;
	_ =	sdelay $0x1  }
0x8c: {  	v5 =	vadd.s32 v2, v5;
	_ =	sdelay $0x3  }
0x8d: {  	[tilespmem:v6+s28+$0x0] =	vst.idx.add.f32.msk $0xffff, v1  }
0x8e: {  	v5 =	vld.idx.msk [tilespmem:v5+s20+$0x0], $0xf;
	_ =	sdelay $0x2  }
0x8f: {  	p0 =	sne.s32 s7, $0x9C00  }
.Ltmp2:
0x90: {  	_ = 	snop;
	(pc) =	sbr.rel @p0 .LBB2_6-.Ltmp2, $2  }
0x91: {  	_ =	sdelay $0x2  }
0x92: {  	s7 =	sadd.s32 $0x340, s7;
	s6 =	sadd.s32 $0x2, s6;
	[tilespmem:v5+s28+$0x0] =	vst.idx.add.f32.msk $0xf, v1  }
0x93: {  	[tilespmem:s24], [sflag:$0x2] =	stream.indirect.gather [hbm4b:s1+s22], $0x80, s30, s22, $0xb8;
	[tilespmem:$0x1C340] =	vst v63  }
0x94: {  	_ = 	snop  }
0x95: {  	[tilespmem:s25], [sflag:$0x2] =	stream.indirect.gather [hbm4b:s12+s22], $0x80, s30, s22, $0xb8;
	[tilespmem:$0x1C340] =	vst v63  }
0x96: {  	_ =	swait.ge [sflag:s26], $0x3200  }
0x97: {  	[sflag:s26] =	ssyncset.done $0x0  }
0x98: {  	[sflag:s26] =	ssyncadd.s32 $0xFFFFCE00  }
0x99: {  	_ =	swait.ge [sflag:s26], $0x3200  }
0x9a: {  	[sflag:s26] =	ssyncset.done $0x0  }
0x9b: {  	[sflag:s26] =	ssyncadd.s32 $0xFFFFCE00  }
0x9c: {  	[spmem:s2] =	stream.indirect.scatter.add.f32 [tilespmem:s21], [sflag:$0x3], $0x80, s31, s22, $0xb8;
	[tilespmem:$0x1C340] =	vst v63  }
0x9d: {  	_ =	swait.ge [sflag:s19], $0x3200  }
0x9e: {  	[sflag:s19] =	ssyncset.done $0x0  }
0x9f: {  	[sflag:s19] =	ssyncadd.s32 $0xFFFFCE00  }
0xa0: {  	[spmem:s3] =	stream.indirect.scatter.add.f32 [tilespmem:s23], [sflag:$0x3], $0x80, s31, s22, $0xb8;
	[tilespmem:$0x1C340] =	vst v63  }
0xa1: {  	_ =	swait.ge [sflag:s19], $0x3200  }
0xa2: {  	[sflag:s19] =	ssyncset.done $0x0  }
0xa3: {  	[sflag:s19] =	ssyncadd.s32 $0xFFFFCE00  }
0xa4: {  	v5 =	vld [tilespmem:$0x5070];
	_ =	sdelay $0x7  }
0xa5: {  	[tilespmem:v5+s28+$0x0] =	vst.idx.add.f32.msk $0xffff, v1  }
0xa6: {  	v5 =	vld [tilespmem:$0x5080];
	_ =	sdelay $0x7  }
0xa7: {  	[tilespmem:v5+s28+$0x0] =	vst.idx.add.f32.msk $0xffff, v1  }
0xa8: {  	v5 =	vld [tilespmem:$0x5090];
	_ =	sdelay $0x7  }
0xa9: {  	[tilespmem:v5+s28+$0x0] =	vst.idx.add.f32.msk $0xffff, v1  }
0xaa: {  	v5 =	vld [tilespmem:$0x50A0];
	_ =	sdelay $0x7  }
0xab: {  	[tilespmem:v5+s28+$0x0] =	vst.idx.add.f32.msk $0xffff, v1  }
0xac: {  	v5 =	vld [tilespmem:$0x50B0];
	_ =	sdelay $0x7  }
0xad: {  	[tilespmem:v5+s28+$0x0] =	vst.idx.add.f32.msk $0xffff, v1  }
0xae: {  	v5 =	vld [tilespmem:$0x50C0];
	_ =	sdelay $0x7  }
0xaf: {  	[tilespmem:v5+s28+$0x0] =	vst.idx.add.f32.msk $0xffff, v1  }
0xb0: {  	v5 =	vld.idx.msk [tilespmem:v3+s20+$0x0], $0xf;
	_ =	sdelay $0x7  }
0xb1: {  	[tilespmem:v5+s28+$0x0] =	vst.idx.add.f32.msk $0xf, v1  }
0xb2: {  	_ =	swait.ge [sflag:s29], $0x3200  }
0xb3: {  	[sflag:s29] =	ssyncset.done $0x0  }
0xb4: {  	[sflag:s29] =	ssyncadd.s32 $0xFFFFCE00  }
0xb5: {  	_ =	swait.ge [sflag:s29], $0x3200  }
0xb6: {  	[sflag:s29] =	ssyncset.done $0x0  }
0xb7: {  	[sflag:s29] =	ssyncadd.s32 $0xFFFFCE00  }
0xb8: {  	[spmem:s2] =	stream.indirect.scatter.add.f32 [tilespmem:s24], [sflag:$0x3], $0x80, s0, s22, $0xb8;
	[tilespmem:$0x1C340] =	vst v63  }
0xb9: {  	_ =	swait.ge [sflag:s19], $0x3200  }
0xba: {  	[sflag:s19] =	ssyncset.done $0x0  }
0xbb: {  	[sflag:s19] =	ssyncadd.s32 $0xFFFFCE00  }
0xbc: {  	[spmem:s3] =	stream.indirect.scatter.add.f32 [tilespmem:s25], [sflag:$0x3], $0x80, s0, s22, $0xb8;
	[tilespmem:$0x1C340] =	vst v63  }
0xbd: {  	_ =	swait.ge [sflag:s19], $0x3200  }
0xbe: {  	[sflag:s19] =	ssyncset.done $0x0  }
0xbf: {  	[sflag:s19] =	ssyncadd.s32 $0xFFFFCE00  }
0xc0: {  	v5 =	vld [tilespmem:$0x50D8];
	_ =	sdelay $0x7  }
0xc1: {  	[tilespmem:v5+s28+$0x0] =	vst.idx.add.f32.msk $0xffff, v1  }
0xc2: {  	v5 =	vld [tilespmem:$0x50E8];
	_ =	sdelay $0x7  }
0xc3: {  	[tilespmem:v5+s28+$0x0] =	vst.idx.add.f32.msk $0xffff, v1  }
0xc4: {  	v5 =	vld [tilespmem:$0x50F8];
	_ =	sdelay $0x7  }
0xc5: {  	[tilespmem:v5+s28+$0x0] =	vst.idx.add.f32.msk $0xffff, v1  }
0xc6: {  	v5 =	vld [tilespmem:$0x5108];
	_ =	sdelay $0x7  }
0xc7: {  	[tilespmem:v5+s28+$0x0] =	vst.idx.add.f32.msk $0xffff, v1  }
0xc8: {  	v5 =	vld [tilespmem:$0x5118];
	_ =	sdelay $0x7  }
0xc9: {  	[tilespmem:v5+s28+$0x0] =	vst.idx.add.f32.msk $0xffff, v1  }
0xca: {  	v5 =	vld [tilespmem:$0x5128];
	_ =	sdelay $0x7  }
0xcb: {  	[tilespmem:v5+s28+$0x0] =	vst.idx.add.f32.msk $0xffff, v1  }
0xcc: {  	v5 =	vld.idx.msk [tilespmem:v4+s20+$0x0], $0xf;
	_ =	sdelay $0x7  }
0xcd: {  	s6 =	simm.s32 $0x0;
	s7 =	simm.s32 $0x40;
	[tilespmem:v5+s28+$0x0] =	vst.idx.add.f32.msk $0xf, v1  }
.LBB2_8:
0xce: {  	p0 =	sne.s32 s7, $0x27C0;
	v5 =	vld [tilespmem:s6+$0x11940];
	_ =	sdelay $0x1  }
.Ltmp3:
0xcf: {  	(pc) =	sbr.rel @p0 .LBB2_8-.Ltmp3, $3  }
0xd0: {  	_ =	sdelay $0x1  }
0xd1: {  	v5 =	vmax.f32 v5, $0.0e+00  }
0xd2: {  	[tilespmem:s6+$0x11940] =	vst v5;
	s6 =	sshra.s32 s7, $0x2;
	s7 =	sadd.s32 $0x40, s7  }
0xd3: {  	v5 =	vld [tilespmem:s6+$0x11940];
	_ =	sdelay $0x4  }
0xd4: {  	v5 =	vmax.f32 v5, $0.0e+00  }
0xd5: {  	[tilespmem:s6+$0x11940] =	vst v5  }
0xd6: {  	[bflag:$0x0] =	sbarrier.arrive $0xFFFF  }
0xd7: {  	[bflag:$0x0] =	sbarrier.arrive $0xFFFF  }
0xd8: {  	s15 =	rddreg [dreg:$0x8]  }
0xd9: {  	[hbm4b:s15+s5] =	stream.linear.scatter [tilespmem:s28], [sflag:$0x3], $0xA00, $0x38;
	[tilespmem:$0x1C340] =	vst v63  }
0xda: {  	_ =	swait.ge [sflag:s19], $0xA00  }
0xdb: {  	[sflag:s19] =	ssyncset.done $0x0  }
0xdc: {  	[sflag:s19] =	ssyncadd.s32 $0xFFFFF600  }
0xdd: {  	[tilespmem:s21], [sflag:$0x3] =	stream.linear.gather [spmem:s8], $0x3200, $0x38;
	[tilespmem:$0x1C340] =	vst v63  }
0xde: {  	_ =	swait.ge [sflag:s19], $0x3200  }
0xdf: {  	[sflag:s19] =	ssyncset.done $0x0  }
0xe0: {  	[sflag:s19] =	ssyncadd.s32 $0xFFFFCE00  }
0xe1: {  	[hbm4b:s13+s5] =	stream.linear.scatter [tilespmem:s21], [sflag:$0x3], $0x3200, $0x38;
	[tilespmem:$0x1C340] =	vst v63  }
0xe2: {  	_ =	swait.ge [sflag:s19], $0x3200  }
0xe3: {  	[sflag:s19] =	ssyncset.done $0x0  }
0xe4: {  	[sflag:s19] =	ssyncadd.s32 $0xFFFFCE00  }
0xe5: {  	[tilespmem:s24], [sflag:$0x3] =	stream.linear.gather [spmem:s9], $0x1E00, $0x38;
	[tilespmem:$0x1C340] =	vst v63  }
0xe6: {  	_ =	swait.ge [sflag:s19], $0x1E00  }
0xe7: {  	[sflag:s19] =	ssyncset.done $0x0  }
0xe8: {  	[sflag:s19] =	ssyncadd.s32 $0xFFFFE200  }
0xe9: {  	[hbm4b:s14+s5] =	stream.linear.scatter [tilespmem:s24], [sflag:$0x3], $0x1E00, $0x38;
	[tilespmem:$0x1C340] =	vst v63  }
0xea: {  	_ =	swait.ge [sflag:s19], $0x1E00  }
0xeb: {  	[sflag:s19] =	ssyncset.done $0x0  }
0xec: {  	[sflag:s19] =	ssyncadd.s32 $0xFFFFE200  }
0xed: {  	[tilespmem:s23], [sflag:$0x3] =	stream.linear.gather [spmem:s10], $0x3200, $0x38;
	[tilespmem:$0x1C340] =	vst v63  }
0xee: {  	_ =	swait.ge [sflag:s19], $0x3200  }
0xef: {  	[sflag:s19] =	ssyncset.done $0x0  }
0xf0: {  	s16 =	rddreg [dreg:$0x9];
	[sflag:s19] =	ssyncadd.s32 $0xFFFFCE00  }
0xf1: {  	[hbm4b:s16+s5] =	stream.linear.scatter [tilespmem:s23], [sflag:$0x3], $0x3200, $0x38;
	[tilespmem:$0x1C340] =	vst v63  }
0xf2: {  	_ =	swait.ge [sflag:s19], $0x3200  }
0xf3: {  	[sflag:s19] =	ssyncset.done $0x0  }
0xf4: {  	[sflag:s19] =	ssyncadd.s32 $0xFFFFCE00  }
0xf5: {  	[tilespmem:s25], [sflag:$0x3] =	stream.linear.gather [spmem:s11], $0x1E00, $0x38;
	[tilespmem:$0x1C340] =	vst v63  }
0xf6: {  	s4 =	sadd.s32 $0x1, s4;
	_ =	swait.ge [sflag:s19], $0x1E00  }
0xf7: {  	p0 =	sne.s32 s4, s18;
	[sflag:s19] =	ssyncset.done $0x0  }
.Ltmp4:
0xf8: {  	[sflag:s19] =	ssyncadd.s32 $0xFFFFE200;
	(pc) =	sbr.rel @p0 .LBB2_1-.Ltmp4, $4  }
0xf9: {  	[hbm4b:s17+s5] =	stream.linear.scatter [tilespmem:s25], [sflag:$0x3], $0x1E00, $0x38;
	[tilespmem:$0x1C340] =	vst v63  }
0xfa: {  	_ =	swait.ge [sflag:s19], $0x1E00  }
0xfb: {  	[sflag:s19] =	ssyncset.done $0x0  }
0xfc: {  	[sflag:s19] =	ssyncadd.s32 $0xFFFFE200  }
0xfd: {  	_ =	sfence.sel $0x180000  }
0xfe: {  	[bflag:$0x0] =	sbarrier.arrive $0xFFFF  }
0xff: {  	_ =	strace $0x90000047  }
0x100: {  	s0 =	stileid.u32;
	[bflag:$0x2] =	sbarrier.arrive $0xFFFF  }
0x101: {  	p0 =	sne.s32 s0, $0x0;
	s0 =	rddreg [dreg:$0x5]  }
0x102: {  	s0 =	sadd.s32 @!p0 $0x100000, s0  }
0x103: {  	[sflag:s0] =	ssyncadd.tile.s32 @!p0 $0x1;
	_ =	shalt  }
.Lfunc_end2:
_tile_overlayer_lowered:
.L_overlay_start_2:
0x104: {  	(tag) =	ssettag $0x2  }
0x105: {  	s0 =	rddreg [dreg:$0x0];
	s2 =	stileid.u32  }
0x106: {  	s1 =	rddreg [dreg:$0x1];
	p0 =	sne.s32 s2, $0x0  }
0x107: {  	s3 =	rddreg [dreg:$0x2];
	[bflag:$0x3] =	sbarrier.arrive $0xFFFF;
	s2 =	simm.s32 @!p0 $0x1C03  }
0x108: {  	[timem:s3], [sflag:s2] =	dma.local @!p0 [hbm:s0], s1  }
0x109: {  	s0 =	simm.s32 @!p0 $0x3  }
0x10a: {  	_ =	swait.ge @!p0 [sflag:s0], s1  }
0x10b: {  	s1 =	ssub.s32 @!p0 $0x0, s1;
	[sflag:s0] =	ssyncset.done @!p0 $0x0  }
0x10c: {  	[sflag:s0] =	ssyncadd.s32 @!p0 s1  }
0x10d: {  	[bflag:$0x3] =	sbarrier.arrive $0xFFFF  }
0x10e: {  	_ =	shalt  }

</sc_bundles>
